<compile_context>
chip_gen: v7x
topology: tpu7x:2x2x1
jax: 0.10.2.dev20260603
libtpu: 0.0.44.dev20260713+nightly
codegen_flags: <defaults>
</compile_context>

<pallas_src>
import functools

import jax
import jax.numpy as jnp
from jax import lax
from jax.experimental import pallas as pl
from jax.experimental.pallas import tpu as pltpu
from jax.experimental.pallas import tpu_sc as plsc

L = 16
D = 4096
VPR = D // L
NROWS = 32 * 16 * 16
NC, NS = 2, 16
NW = NC * NS
SC_ROWS = 2816
TC_ROWS = NROWS - SC_ROWS
ROWS_PER_W = SC_ROWS // NW
RB = 4
NT = ROWS_PER_W // RB
TCB = 128
BISECT = 12

UMAX = 8
UCP = 8
UOUT = 8


def _splat_max(x):
    return plsc.cummax(lax.rev(plsc.cummax(x), (0,)))


def _vsum_nonneg(x):
    return plsc.cummax(lax.rev(plsc.cumsum(x), (0,)))


def _vrecip(x):
    xi = plsc.bitcast(x, jnp.int32)
    r = plsc.bitcast(jnp.full((L,), 0x7EF311C3, jnp.int32) - xi, jnp.float32)
    for _ in range(3):
        r = r * (2.0 - x * r)
    return r


def _row_sparsemax(zbuf, obuf, cbuf, r):
    def mx_body(i, accs):
        base = i * (L * UMAX)
        return tuple(
            jnp.maximum(a, zbuf[r, pl.ds(base + j * L, L)])
            for j, a in enumerate(accs))
    accs = lax.fori_loop(
        0, VPR // UMAX, mx_body,
        (jnp.full((L,), -jnp.inf, jnp.float32),) * UMAX)
    accm = functools.reduce(jnp.maximum, accs)
    mxs = _splat_max(accm)
    lo0 = mxs - 1.0

    def cp_body(i, cnt_vec):
        base = i * (L * UCP)
        vs, ms, csums, pcs = [], [], [], []
        for j in range(UCP):
            v = zbuf[r, pl.ds(base + j * L, L)]
            m = v > lo0
            vs.append(v)
            ms.append(m)
            csums.append(plsc.cumsum(jnp.where(m, 1, 0)))
            pcs.append(plsc.all_reduce_population_count(m))
        off = cnt_vec
        for j in range(UCP):
            plsc.store_scatter(cbuf, (off + csums[j] - 1,), vs[j], mask=ms[j])
            off = off + pcs[j]
        return off
    cnt_vec = lax.fori_loop(
        0, VPR // UCP, cp_body, jnp.zeros((L,), jnp.int32))
    cnt = cnt_vec[0]
    cbuf[pl.ds(cnt, L)] = lo0 - 1.0
    nv = lax.shift_right_logical(cnt + (L - 1), 4)

    def bis_body(_, lohi):
        lo, hi = lohi
        t = 0.5 * (lo + hi)
        def f_body(i, acc):
            v = cbuf[pl.ds(i * L, L)]
            return acc + jnp.maximum(v - t, 0.0)
        acc = lax.fori_loop(0, nv, f_body, jnp.zeros((L,), jnp.float32))
        ge = _vsum_nonneg(acc) >= 1.0
        return jnp.where(ge, t, lo), jnp.where(ge, hi, t)
    lo, _hi = lax.fori_loop(0, BISECT, bis_body, (lo0, mxs))

    def nf_body(i, acc):
        v = cbuf[pl.ds(i * L, L)]
        m = v > lo
        sacc, kacc = acc
        return (sacc + jnp.where(m, v - lo0, 0.0),
                kacc + jnp.where(m, 1.0, 0.0))
    sacc, kacc = lax.fori_loop(
        0, nv, nf_body,
        (jnp.zeros((L,), jnp.float32), jnp.zeros((L,), jnp.float32)))
    ks = jnp.maximum(_vsum_nonneg(kacc), 1.0)
    tau = (_vsum_nonneg(sacc) + ks * lo0 - 1.0) * _vrecip(ks)

    def out_body(i, carry):
        base = i * (L * UOUT)
        for j in range(UOUT):
            v = zbuf[r, pl.ds(base + j * L, L)]
            obuf[r, pl.ds(base + j * L, L)] = jnp.maximum(v - tau, 0.0)
        return carry
    lax.fori_loop(0, VPR // UOUT, out_body, 0)


def _sc_body(x_hbm, out_hbm, zb0, zb1, ob0, ob1, cbuf, si0, si1, so0, so1):
    wid = lax.axis_index("s") * NC + lax.axis_index("c")
    row0 = wid * ROWS_PER_W
    zb, ob, si, so = (zb0, zb1), (ob0, ob1), (si0, si1), (so0, so1)

    for b in range(2):
        pltpu.async_copy(x_hbm.at[pl.ds(row0 + b * RB, RB)], zb[b], si[b])

    def outer(o, carry):
        for b in range(2):
            t = 2 * o + b
            base = row0 + t * RB
            pltpu.make_async_copy(x_hbm.at[pl.ds(base, RB)], zb[b],
                                  si[b]).wait()

            @pl.when(o > 0)
            def _():
                pltpu.make_async_copy(
                    ob[b], out_hbm.at[pl.ds(base - 2 * RB, RB)],
                    so[b]).wait()

            def row_body(r, c):
                _row_sparsemax(zb[b], ob[b], cbuf, r)
                return c
            lax.fori_loop(0, RB, row_body, 0)
            pltpu.async_copy(ob[b], out_hbm.at[pl.ds(base, RB)], so[b])

            @pl.when(t + 2 < NT)
            def _():
                pltpu.async_copy(x_hbm.at[pl.ds(base + 2 * RB, RB)], zb[b],
                                 si[b])
        return carry
    lax.fori_loop(0, NT // 2, outer, 0)

    for b in range(2):
        base = row0 + (NT - 2 + b) * RB
        pltpu.make_async_copy(ob[b], out_hbm.at[pl.ds(base, RB)],
                              so[b]).wait()


def _tc_body(x_ref, o_ref):
    z = x_ref[...]
    mx = jnp.max(z, axis=-1, keepdims=True)
    lo = mx - 1.0
    hi = mx
    for _ in range(BISECT):
        t = 0.5 * (lo + hi)
        f = jnp.sum(jnp.maximum(z - t, 0.0), axis=-1, keepdims=True)
        ge = f >= 1.0
        lo = jnp.where(ge, t, lo)
        hi = jnp.where(ge, hi, t)
    m = z > lo
    k = jnp.sum(m.astype(jnp.float32), axis=-1, keepdims=True)
    s = jnp.sum(jnp.where(m, z, 0.0), axis=-1, keepdims=True)
    tau = (s - 1.0) / jnp.maximum(k, 1.0)
    o_ref[...] = jnp.maximum(z - tau, 0.0)


def _tc_sparsemax(x):
    return pl.pallas_call(
        _tc_body,
        grid=(TC_ROWS // TCB,),
        in_specs=[pl.BlockSpec((TCB, D), lambda i: (i + SC_ROWS // TCB, 0))],
        out_specs=pl.BlockSpec((TCB, D), lambda i: (i, 0)),
        out_shape=jax.ShapeDtypeStruct((TC_ROWS, D), jnp.float32),
    )(x)


@jax.jit
def kernel(input):
    x = input.reshape(NROWS, D)
    mesh = plsc.VectorSubcoreMesh(
        core_axis_name="c", subcore_axis_name="s", num_cores=NC,
        num_subcores=NS)
    run = functools.partial(
        pl.kernel,
        out_type=jax.ShapeDtypeStruct((SC_ROWS, D), jnp.float32),
        mesh=mesh,
        compiler_params=pltpu.CompilerParams(needs_layout_passes=False),
        scratch_types=[
            pltpu.VMEM((RB, D), jnp.float32),
            pltpu.VMEM((RB, D), jnp.float32),
            pltpu.VMEM((RB, D), jnp.float32),
            pltpu.VMEM((RB, D), jnp.float32),
            pltpu.VMEM((D + L,), jnp.float32),
            pltpu.SemaphoreType.DMA,
            pltpu.SemaphoreType.DMA,
            pltpu.SemaphoreType.DMA,
            pltpu.SemaphoreType.DMA,
        ],
    )(_sc_body)
    sc_out = run(x)
    tc_out = _tc_sparsemax(x)
    return jnp.concatenate([sc_out, tc_out], axis=0).reshape(input.shape)

# --- scband reference (transcript-rebuilt; emitter-appended) ---
"""Pipeline reference for scband-sparsemax-4071628997036 (READ-ONLY COPY).

The authoritative reference and input builder live on the scoring server;
editing this copy changes nothing except your own understanding.
"""

import jax, jax.numpy as jnp
import numpy as np


def setup_inputs(seed: int = 0) -> dict:
    key = jax.random.key(seed)
    x = jax.random.normal(key, (32, 16, 16, 4096), dtype=jnp.float32)
    return {"input": x}


def reference(input):
    # Sparsemax along dim=-1 (Martins & Astudillo, 2016), faithful to
    # SparsemaxFunction.apply(input, dim):
    #   1. sort z descending along dim
    #   2. find support size k(z) = max{k : 1 + k*z_(k) > cumsum_k}
    #   3. tau = (cumsum_{k(z)} - 1) / k(z)
    #   4. output = max(z - tau, 0)
    dim = -1
    z = input
    d = z.shape[dim]
    # descending sort along dim
    z_sorted = -jnp.sort(-z, axis=dim)
    k = jnp.arange(1, d + 1, dtype=z.dtype)
    z_cumsum = jnp.cumsum(z_sorted, axis=dim)
    support = k * z_sorted > (z_cumsum - 1.0)
    k_z = jnp.sum(support.astype(jnp.int32), axis=dim, keepdims=True)
    k_z = jnp.maximum(k_z, 1)  # guard (support is always >= 1 mathematically)
    tau_sum = jnp.take_along_axis(z_cumsum, k_z - 1, axis=dim)
    tau = (tau_sum - 1.0) / k_z.astype(z.dtype)
    return jnp.maximum(z - tau, 0.0)

if __name__ == "__main__":
    import jax
    _d = setup_inputs()
    print(jax.jit(kernel)(*tuple(_d.values())))

</pallas_src>

<mosaic_0001>
#map = affine_map<(d0, d1) -> (0, 0)>
module attributes {stable_mosaic.version = 14 : i64} {
  func.func @_sc_body(%arg0: i32, %arg1: i32, %arg2: memref<8192x4096xf32, #tpu.memory_space<hbm>>, %arg3: memref<2816x4096xf32, #tpu.memory_space<hbm>>, %arg4: memref<4x4096xf32, #tpu.memory_space<vmem>>, %arg5: memref<4x4096xf32, #tpu.memory_space<vmem>>, %arg6: memref<4x4096xf32, #tpu.memory_space<vmem>>, %arg7: memref<4x4096xf32, #tpu.memory_space<vmem>>, %arg8: memref<4112xf32, #tpu.memory_space<vmem>>, %arg9: memref<!tpu.dma_semaphore, #tpu.memory_space<semaphore_mem>>, %arg10: memref<!tpu.dma_semaphore, #tpu.memory_space<semaphore_mem>>, %arg11: memref<!tpu.dma_semaphore, #tpu.memory_space<semaphore_mem>>, %arg12: memref<!tpu.dma_semaphore, #tpu.memory_space<semaphore_mem>>) attributes {dimension_semantics = [#tpu.dimension_semantics<core_parallel>, #tpu.dimension_semantics<subcore_parallel>], iteration_bounds = array<i64: 2, 16>, scalar_prefetch = 0 : i64, scratch_operands = 9 : i64, tpu.core_type = #tpu.core_type<sc_vector_subcore>, window_params = [{transform_indices = #map}, {transform_indices = #map}]} {
    %mul3A = arith.constant 2 : i32
    %mul3A_0 = arith.muli %arg1, %mul3A : i32
    %add3A = arith.addi %mul3A_0, %arg0 : i32
    %mul3A_1 = arith.constant 88 : i32
    %mul3A_2 = arith.muli %add3A, %mul3A_1 : i32
    %add3A_3 = arith.constant 0 : i32
    %add3A_4 = arith.addi %mul3A_2, %add3A_3 : i32
    %dma_start3A = arith.constant 0 : i32
    %dma_start3A_5 = tpu.memref_slice %arg2[%add3A_4, %dma_start3A] : memref<8192x4096xf32, #tpu.memory_space<hbm>> -> memref<4x4096xf32, #tpu.memory_space<hbm>>
    %dma_start3A_6 = arith.constant 0 : i32
    %dma_start3A_7 = tpu.memref_slice %arg2[%add3A_4, %dma_start3A_6] : memref<8192x4096xf32, #tpu.memory_space<hbm>> -> memref<4x4096xf32, #tpu.memory_space<hbm>>
    tpu.enqueue_dma source(%dma_start3A_7 : memref<4x4096xf32, #tpu.memory_space<hbm>>) target(%arg4 : memref<4x4096xf32, #tpu.memory_space<vmem>>) target_semaphore(%arg9 : memref<!tpu.dma_semaphore, #tpu.memory_space<semaphore_mem>>)
    %add3A_8 = arith.constant 4 : i32
    %add3A_9 = arith.addi %mul3A_2, %add3A_8 : i32
    %dma_start3A_10 = arith.constant 0 : i32
    %dma_start3A_11 = tpu.memref_slice %arg2[%add3A_9, %dma_start3A_10] : memref<8192x4096xf32, #tpu.memory_space<hbm>> -> memref<4x4096xf32, #tpu.memory_space<hbm>>
    %dma_start3A_12 = arith.constant 0 : i32
    %dma_start3A_13 = tpu.memref_slice %arg2[%add3A_9, %dma_start3A_12] : memref<8192x4096xf32, #tpu.memory_space<hbm>> -> memref<4x4096xf32, #tpu.memory_space<hbm>>
    tpu.enqueue_dma source(%dma_start3A_13 : memref<4x4096xf32, #tpu.memory_space<hbm>>) target(%arg5 : memref<4x4096xf32, #tpu.memory_space<vmem>>) target_semaphore(%arg10 : memref<!tpu.dma_semaphore, #tpu.memory_space<semaphore_mem>>)
    %scan3A = arith.constant 0 : i32
    %scan3A_14 = arith.constant 0 : i32
    %scan3A_15 = arith.constant 11 : i32
    %scan3A_16 = arith.addi %scan3A_14, %scan3A_15 : i32
    %scan3A_17 = arith.constant 1 : i32
    scf.for %scan3A_30 = %scan3A_14 to %scan3A_16 step %scan3A_17  : i32 {
      %mul3A_31 = arith.constant 2 : i32
      %mul3A_32 = arith.muli %mul3A_31, %scan3A_30 : i32
      %add3A_33 = arith.constant 0 : i32
      %add3A_34 = arith.addi %mul3A_32, %add3A_33 : i32
      %mul3A_35 = arith.constant 4 : i32
      %mul3A_36 = arith.muli %add3A_34, %mul3A_35 : i32
      %add3A_37 = arith.addi %mul3A_2, %mul3A_36 : i32
      %dma_wait3A_38 = arith.constant 0 : i32
      %dma_wait3A_39 = tpu.memref_slice %arg2[%add3A_37, %dma_wait3A_38] : memref<8192x4096xf32, #tpu.memory_space<hbm>> -> memref<4x4096xf32, #tpu.memory_space<hbm>>
      %dma_wait3A_40 = arith.constant 0 : i32
      %dma_wait3A_41 = tpu.memref_slice %arg2[%add3A_37, %dma_wait3A_40] : memref<8192x4096xf32, #tpu.memory_space<hbm>> -> memref<4x4096xf32, #tpu.memory_space<hbm>>
      tpu.wait_dma2 semaphore(%arg9 : memref<!tpu.dma_semaphore, #tpu.memory_space<semaphore_mem>>) src(%dma_wait3A_41 : memref<4x4096xf32, #tpu.memory_space<hbm>>) dst(%arg4 : memref<4x4096xf32, #tpu.memory_space<vmem>>)
      %gt3A = arith.constant 0 : i32
      %gt3A_42 = arith.cmpi sgt, %scan3A_30, %gt3A : i32
      %convert_element_type3A = arith.extui %gt3A_42 : i1 to i32
      %cond3A = arith.constant 0 : i32
      %cond3A_43 = arith.cmpi ne, %convert_element_type3A, %cond3A : i32
      scf.if %cond3A_43 {
        %sub3A = arith.constant 8 : i32
        %sub3A_93 = arith.subi %add3A_37, %sub3A : i32
        %dma_wait3A_94 = arith.constant 0 : i32
        %dma_wait3A_95 = tpu.memref_slice %arg3[%sub3A_93, %dma_wait3A_94] : memref<2816x4096xf32, #tpu.memory_space<hbm>> -> memref<4x4096xf32, #tpu.memory_space<hbm>>
        %dma_wait3A_96 = arith.constant 0 : i32
        %dma_wait3A_97 = tpu.memref_slice %arg3[%sub3A_93, %dma_wait3A_96] : memref<2816x4096xf32, #tpu.memory_space<hbm>> -> memref<4x4096xf32, #tpu.memory_space<hbm>>
        tpu.wait_dma2 semaphore(%arg11 : memref<!tpu.dma_semaphore, #tpu.memory_space<semaphore_mem>>) src(%arg6 : memref<4x4096xf32, #tpu.memory_space<vmem>>) dst(%dma_wait3A_97 : memref<4x4096xf32, #tpu.memory_space<hbm>>)
      } else {
      }
      %scan3A_44 = arith.constant 0 : i32
      %scan3A_45 = arith.constant 0 : i32
      %scan3A_46 = arith.constant 4 : i32
      %scan3A_47 = arith.addi %scan3A_45, %scan3A_46 : i32
      %scan3A_48 = arith.constant 1 : i32
      scf.for %scan3A_93 = %scan3A_45 to %scan3A_47 step %scan3A_48  : i32 {
        %broadcast_in_dim3A = arith.constant 0xFF800000 : f32
        %broadcast_in_dim3A_94 = vector.broadcast %broadcast_in_dim3A : f32 to vector<16xf32>
        %scan3A_95 = arith.constant 0 : i32
        %scan3A_96 = arith.constant 32 : i32
        %scan3A_97 = arith.addi %scan3A_95, %scan3A_96 : i32
        %scan3A_98 = arith.constant 1 : i32
        %scan3A_99:8 = scf.for %scan3A_208 = %scan3A_95 to %scan3A_97 step %scan3A_98 iter_args(%scan3A_209 = %broadcast_in_dim3A_94, %scan3A_210 = %broadcast_in_dim3A_94, %scan3A_211 = %broadcast_in_dim3A_94, %scan3A_212 = %broadcast_in_dim3A_94, %scan3A_213 = %broadcast_in_dim3A_94, %scan3A_214 = %broadcast_in_dim3A_94, %scan3A_215 = %broadcast_in_dim3A_94, %scan3A_216 = %broadcast_in_dim3A_94) -> (vector<16xf32>, vector<16xf32>, vector<16xf32>, vector<16xf32>, vector<16xf32>, vector<16xf32>, vector<16xf32>, vector<16xf32>)  : i32 {
          %mul3A_217 = arith.constant 128 : i32
          %mul3A_218 = arith.muli %scan3A_208, %mul3A_217 : i32
          %add3A_219 = arith.constant 0 : i32
          %add3A_220 = arith.addi %mul3A_218, %add3A_219 : i32
          %get3A = arith.index_cast %scan3A_93 : i32 to index
          %get3A_221 = arith.index_cast %add3A_220 : i32 to index
          %get3A_222 = tpu.vector_load %arg4[%get3A, %get3A_221] {strides = array<i32>} : memref<4x4096xf32, #tpu.memory_space<vmem>>, vector<16xf32>,
          %max3A_223 = arith.maximumf %scan3A_209, %get3A_222 : vector<16xf32>
          %add3A_224 = arith.constant 16 : i32
          %add3A_225 = arith.addi %mul3A_218, %add3A_224 : i32
          %get3A_226 = arith.index_cast %scan3A_93 : i32 to index
          %get3A_227 = arith.index_cast %add3A_225 : i32 to index
          %get3A_228 = tpu.vector_load %arg4[%get3A_226, %get3A_227] {strides = array<i32>} : memref<4x4096xf32, #tpu.memory_space<vmem>>, vector<16xf32>,
          %max3A_229 = arith.maximumf %scan3A_210, %get3A_228 : vector<16xf32>
          %add3A_230 = arith.constant 32 : i32
          %add3A_231 = arith.addi %mul3A_218, %add3A_230 : i32
          %get3A_232 = arith.index_cast %scan3A_93 : i32 to index
          %get3A_233 = arith.index_cast %add3A_231 : i32 to index
          %get3A_234 = tpu.vector_load %arg4[%get3A_232, %get3A_233] {strides = array<i32>} : memref<4x4096xf32, #tpu.memory_space<vmem>>, vector<16xf32>,
          %max3A_235 = arith.maximumf %scan3A_211, %get3A_234 : vector<16xf32>
          %add3A_236 = arith.constant 48 : i32
          %add3A_237 = arith.addi %mul3A_218, %add3A_236 : i32
          %get3A_238 = arith.index_cast %scan3A_93 : i32 to index
          %get3A_239 = arith.index_cast %add3A_237 : i32 to index
          %get3A_240 = tpu.vector_load %arg4[%get3A_238, %get3A_239] {strides = array<i32>} : memref<4x4096xf32, #tpu.memory_space<vmem>>, vector<16xf32>,
          %max3A_241 = arith.maximumf %scan3A_212, %get3A_240 : vector<16xf32>
          %add3A_242 = arith.constant 64 : i32
          %add3A_243 = arith.addi %mul3A_218, %add3A_242 : i32
          %get3A_244 = arith.index_cast %scan3A_93 : i32 to index
          %get3A_245 = arith.index_cast %add3A_243 : i32 to index
          %get3A_246 = tpu.vector_load %arg4[%get3A_244, %get3A_245] {strides = array<i32>} : memref<4x4096xf32, #tpu.memory_space<vmem>>, vector<16xf32>,
          %max3A_247 = arith.maximumf %scan3A_213, %get3A_246 : vector<16xf32>
          %add3A_248 = arith.constant 80 : i32
          %add3A_249 = arith.addi %mul3A_218, %add3A_248 : i32
          %get3A_250 = arith.index_cast %scan3A_93 : i32 to index
          %get3A_251 = arith.index_cast %add3A_249 : i32 to index
          %get3A_252 = tpu.vector_load %arg4[%get3A_250, %get3A_251] {strides = array<i32>} : memref<4x4096xf32, #tpu.memory_space<vmem>>, vector<16xf32>,
          %max3A_253 = arith.maximumf %scan3A_214, %get3A_252 : vector<16xf32>
          %add3A_254 = arith.constant 96 : i32
          %add3A_255 = arith.addi %mul3A_218, %add3A_254 : i32
          %get3A_256 = arith.index_cast %scan3A_93 : i32 to index
          %get3A_257 = arith.index_cast %add3A_255 : i32 to index
          %get3A_258 = tpu.vector_load %arg4[%get3A_256, %get3A_257] {strides = array<i32>} : memref<4x4096xf32, #tpu.memory_space<vmem>>, vector<16xf32>,
          %max3A_259 = arith.maximumf %scan3A_215, %get3A_258 : vector<16xf32>
          %add3A_260 = arith.constant 112 : i32
          %add3A_261 = arith.addi %mul3A_218, %add3A_260 : i32
          %get3A_262 = arith.index_cast %scan3A_93 : i32 to index
          %get3A_263 = arith.index_cast %add3A_261 : i32 to index
          %get3A_264 = tpu.vector_load %arg4[%get3A_262, %get3A_263] {strides = array<i32>} : memref<4x4096xf32, #tpu.memory_space<vmem>>, vector<16xf32>,
          %max3A_265 = arith.maximumf %scan3A_216, %get3A_264 : vector<16xf32>
          scf.yield %max3A_223, %max3A_229, %max3A_235, %max3A_241, %max3A_247, %max3A_253, %max3A_259, %max3A_265 : vector<16xf32>, vector<16xf32>, vector<16xf32>, vector<16xf32>, vector<16xf32>, vector<16xf32>, vector<16xf32>, vector<16xf32>
        }
        %scan3A_100 = arith.constant 32 : i32
        %max3A = arith.maximumf %scan3A_99#0, %scan3A_99#1 : vector<16xf32>
        %max3A_101 = arith.maximumf %max3A, %scan3A_99#2 : vector<16xf32>
        %max3A_102 = arith.maximumf %max3A_101, %scan3A_99#3 : vector<16xf32>
        %max3A_103 = arith.maximumf %max3A_102, %scan3A_99#4 : vector<16xf32>
        %max3A_104 = arith.maximumf %max3A_103, %scan3A_99#5 : vector<16xf32>
        %max3A_105 = arith.maximumf %max3A_104, %scan3A_99#6 : vector<16xf32>
        %max3A_106 = arith.maximumf %max3A_105, %scan3A_99#7 : vector<16xf32>
        %broadcast_in_dim3A_107 = arith.constant true
        %broadcast_in_dim3A_108 = vector.broadcast %broadcast_in_dim3A_107 : i1 to vector<16xi1>
        %masked_cummax3A = tpu.scan <max>, %max3A_106 masked %broadcast_in_dim3A_108 : vector<16xf32>, vector<16xi1> -> vector<16xf32>
        %rev3A = arith.constant 15 : i32
        %rev3A_109 = vector.broadcast %rev3A : i32 to vector<16xi32>
        %rev3A_110 = tpu.iota {dimensions = array<i32: 0>} : vector<16xi32>
        %rev3A_111 = arith.subi %rev3A_109, %rev3A_110 : vector<16xi32>
        %rev3A_112 = tpu.dynamic_gather %masked_cummax3A[%rev3A_111] in [0] : vector<16xf32>, vector<16xi32> -> vector<16xf32>
        %broadcast_in_dim3A_113 = arith.constant true
        %broadcast_in_dim3A_114 = vector.broadcast %broadcast_in_dim3A_113 : i1 to vector<16xi1>
        %masked_cummax3A_115 = tpu.scan <max>, %rev3A_112 masked %broadcast_in_dim3A_114 : vector<16xf32>, vector<16xi1> -> vector<16xf32>
        %sub3A = arith.constant 1.000000e+00 : f32
        %sub3A_116 = vector.broadcast %sub3A : f32 to vector<16xf32>
        %sub3A_117 = arith.subf %masked_cummax3A_115, %sub3A_116 : vector<16xf32>
        %broadcast_in_dim3A_118 = arith.constant 0 : i32
        %broadcast_in_dim3A_119 = vector.broadcast %broadcast_in_dim3A_118 : i32 to vector<16xi32>
        %scan3A_120 = arith.constant 0 : i32
        %scan3A_121 = arith.constant 32 : i32
        %scan3A_122 = arith.addi %scan3A_120, %scan3A_121 : i32
        %scan3A_123 = arith.constant 1 : i32
        %scan3A_124 = scf.for %scan3A_208 = %scan3A_120 to %scan3A_122 step %scan3A_123 iter_args(%scan3A_209 = %broadcast_in_dim3A_119) -> (vector<16xi32>)  : i32 {
          %mul3A_210 = arith.constant 128 : i32
          %mul3A_211 = arith.muli %scan3A_208, %mul3A_210 : i32
          %add3A_212 = arith.constant 0 : i32
          %add3A_213 = arith.addi %mul3A_211, %add3A_212 : i32
          %get3A = arith.index_cast %scan3A_93 : i32 to index
          %get3A_214 = arith.index_cast %add3A_213 : i32 to index
          %get3A_215 = tpu.vector_load %arg4[%get3A, %get3A_214] {strides = array<i32>} : memref<4x4096xf32, #tpu.memory_space<vmem>>, vector<16xf32>,
          %gt3A_216 = arith.cmpf ogt, %get3A_215, %sub3A_117 : vector<16xf32>
          %jit3A = arith.constant 1 : i32
          %jit3A_217 = arith.constant 0 : i32
          %broadcast_in_dim3A_218 = vector.broadcast %jit3A : i32 to vector<16xi32>
          %broadcast_in_dim3A_219 = vector.broadcast %jit3A_217 : i32 to vector<16xi32>
          %select_n3A = arith.select %gt3A_216, %broadcast_in_dim3A_218, %broadcast_in_dim3A_219 : vector<16xi1>, vector<16xi32>
          %broadcast_in_dim3A_220 = arith.constant true
          %broadcast_in_dim3A_221 = vector.broadcast %broadcast_in_dim3A_220 : i1 to vector<16xi1>
          %masked_cumsum3A_222 = tpu.scan <sum>, %select_n3A masked %broadcast_in_dim3A_221 : vector<16xi32>, vector<16xi1> -> vector<16xi32>
          %all_reduce_population_count3A = tpu.all_reduce %gt3A_216 {dim = 0 : i64, kind = #tpu.reduction_kind<sum>} : vector<16xi1> -> vector<16xi32>
          %add3A_223 = arith.constant 16 : i32
          %add3A_224 = arith.addi %mul3A_211, %add3A_223 : i32
          %get3A_225 = arith.index_cast %scan3A_93 : i32 to index
          %get3A_226 = arith.index_cast %add3A_224 : i32 to index
          %get3A_227 = tpu.vector_load %arg4[%get3A_225, %get3A_226] {strides = array<i32>} : memref<4x4096xf32, #tpu.memory_space<vmem>>, vector<16xf32>,
          %gt3A_228 = arith.cmpf ogt, %get3A_227, %sub3A_117 : vector<16xf32>
          %jit3A_229 = arith.constant 1 : i32
          %jit3A_230 = arith.constant 0 : i32
          %broadcast_in_dim3A_231 = vector.broadcast %jit3A_229 : i32 to vector<16xi32>
          %broadcast_in_dim3A_232 = vector.broadcast %jit3A_230 : i32 to vector<16xi32>
          %select_n3A_233 = arith.select %gt3A_228, %broadcast_in_dim3A_231, %broadcast_in_dim3A_232 : vector<16xi1>, vector<16xi32>
          %broadcast_in_dim3A_234 = arith.constant true
          %broadcast_in_dim3A_235 = vector.broadcast %broadcast_in_dim3A_234 : i1 to vector<16xi1>
          %masked_cumsum3A_236 = tpu.scan <sum>, %select_n3A_233 masked %broadcast_in_dim3A_235 : vector<16xi32>, vector<16xi1> -> vector<16xi32>
          %all_reduce_population_count3A_237 = tpu.all_reduce %gt3A_228 {dim = 0 : i64, kind = #tpu.reduction_kind<sum>} : vector<16xi1> -> vector<16xi32>
          %add3A_238 = arith.constant 32 : i32
          %add3A_239 = arith.addi %mul3A_211, %add3A_238 : i32
          %get3A_240 = arith.index_cast %scan3A_93 : i32 to index
          %get3A_241 = arith.index_cast %add3A_239 : i32 to index
          %get3A_242 = tpu.vector_load %arg4[%get3A_240, %get3A_241] {strides = array<i32>} : memref<4x4096xf32, #tpu.memory_space<vmem>>, vector<16xf32>,
          %gt3A_243 = arith.cmpf ogt, %get3A_242, %sub3A_117 : vector<16xf32>
          %jit3A_244 = arith.constant 1 : i32
          %jit3A_245 = arith.constant 0 : i32
          %broadcast_in_dim3A_246 = vector.broadcast %jit3A_244 : i32 to vector<16xi32>
          %broadcast_in_dim3A_247 = vector.broadcast %jit3A_245 : i32 to vector<16xi32>
          %select_n3A_248 = arith.select %gt3A_243, %broadcast_in_dim3A_246, %broadcast_in_dim3A_247 : vector<16xi1>, vector<16xi32>
          %broadcast_in_dim3A_249 = arith.constant true
          %broadcast_in_dim3A_250 = vector.broadcast %broadcast_in_dim3A_249 : i1 to vector<16xi1>
          %masked_cumsum3A_251 = tpu.scan <sum>, %select_n3A_248 masked %broadcast_in_dim3A_250 : vector<16xi32>, vector<16xi1> -> vector<16xi32>
          %all_reduce_population_count3A_252 = tpu.all_reduce %gt3A_243 {dim = 0 : i64, kind = #tpu.reduction_kind<sum>} : vector<16xi1> -> vector<16xi32>
          %add3A_253 = arith.constant 48 : i32
          %add3A_254 = arith.addi %mul3A_211, %add3A_253 : i32
          %get3A_255 = arith.index_cast %scan3A_93 : i32 to index
          %get3A_256 = arith.index_cast %add3A_254 : i32 to index
          %get3A_257 = tpu.vector_load %arg4[%get3A_255, %get3A_256] {strides = array<i32>} : memref<4x4096xf32, #tpu.memory_space<vmem>>, vector<16xf32>,
          %gt3A_258 = arith.cmpf ogt, %get3A_257, %sub3A_117 : vector<16xf32>
          %jit3A_259 = arith.constant 1 : i32
          %jit3A_260 = arith.constant 0 : i32
          %broadcast_in_dim3A_261 = vector.broadcast %jit3A_259 : i32 to vector<16xi32>
          %broadcast_in_dim3A_262 = vector.broadcast %jit3A_260 : i32 to vector<16xi32>
          %select_n3A_263 = arith.select %gt3A_258, %broadcast_in_dim3A_261, %broadcast_in_dim3A_262 : vector<16xi1>, vector<16xi32>
          %broadcast_in_dim3A_264 = arith.constant true
          %broadcast_in_dim3A_265 = vector.broadcast %broadcast_in_dim3A_264 : i1 to vector<16xi1>
          %masked_cumsum3A_266 = tpu.scan <sum>, %select_n3A_263 masked %broadcast_in_dim3A_265 : vector<16xi32>, vector<16xi1> -> vector<16xi32>
          %all_reduce_population_count3A_267 = tpu.all_reduce %gt3A_258 {dim = 0 : i64, kind = #tpu.reduction_kind<sum>} : vector<16xi1> -> vector<16xi32>
          %add3A_268 = arith.constant 64 : i32
          %add3A_269 = arith.addi %mul3A_211, %add3A_268 : i32
          %get3A_270 = arith.index_cast %scan3A_93 : i32 to index
          %get3A_271 = arith.index_cast %add3A_269 : i32 to index
          %get3A_272 = tpu.vector_load %arg4[%get3A_270, %get3A_271] {strides = array<i32>} : memref<4x4096xf32, #tpu.memory_space<vmem>>, vector<16xf32>,
          %gt3A_273 = arith.cmpf ogt, %get3A_272, %sub3A_117 : vector<16xf32>
          %jit3A_274 = arith.constant 1 : i32
          %jit3A_275 = arith.constant 0 : i32
          %broadcast_in_dim3A_276 = vector.broadcast %jit3A_274 : i32 to vector<16xi32>
          %broadcast_in_dim3A_277 = vector.broadcast %jit3A_275 : i32 to vector<16xi32>
          %select_n3A_278 = arith.select %gt3A_273, %broadcast_in_dim3A_276, %broadcast_in_dim3A_277 : vector<16xi1>, vector<16xi32>
          %broadcast_in_dim3A_279 = arith.constant true
          %broadcast_in_dim3A_280 = vector.broadcast %broadcast_in_dim3A_279 : i1 to vector<16xi1>
          %masked_cumsum3A_281 = tpu.scan <sum>, %select_n3A_278 masked %broadcast_in_dim3A_280 : vector<16xi32>, vector<16xi1> -> vector<16xi32>
          %all_reduce_population_count3A_282 = tpu.all_reduce %gt3A_273 {dim = 0 : i64, kind = #tpu.reduction_kind<sum>} : vector<16xi1> -> vector<16xi32>
          %add3A_283 = arith.constant 80 : i32
          %add3A_284 = arith.addi %mul3A_211, %add3A_283 : i32
          %get3A_285 = arith.index_cast %scan3A_93 : i32 to index
          %get3A_286 = arith.index_cast %add3A_284 : i32 to index
          %get3A_287 = tpu.vector_load %arg4[%get3A_285, %get3A_286] {strides = array<i32>} : memref<4x4096xf32, #tpu.memory_space<vmem>>, vector<16xf32>,
          %gt3A_288 = arith.cmpf ogt, %get3A_287, %sub3A_117 : vector<16xf32>
          %jit3A_289 = arith.constant 1 : i32
          %jit3A_290 = arith.constant 0 : i32
          %broadcast_in_dim3A_291 = vector.broadcast %jit3A_289 : i32 to vector<16xi32>
          %broadcast_in_dim3A_292 = vector.broadcast %jit3A_290 : i32 to vector<16xi32>
          %select_n3A_293 = arith.select %gt3A_288, %broadcast_in_dim3A_291, %broadcast_in_dim3A_292 : vector<16xi1>, vector<16xi32>
          %broadcast_in_dim3A_294 = arith.constant true
          %broadcast_in_dim3A_295 = vector.broadcast %broadcast_in_dim3A_294 : i1 to vector<16xi1>
          %masked_cumsum3A_296 = tpu.scan <sum>, %select_n3A_293 masked %broadcast_in_dim3A_295 : vector<16xi32>, vector<16xi1> -> vector<16xi32>
          %all_reduce_population_count3A_297 = tpu.all_reduce %gt3A_288 {dim = 0 : i64, kind = #tpu.reduction_kind<sum>} : vector<16xi1> -> vector<16xi32>
          %add3A_298 = arith.constant 96 : i32
          %add3A_299 = arith.addi %mul3A_211, %add3A_298 : i32
          %get3A_300 = arith.index_cast %scan3A_93 : i32 to index
          %get3A_301 = arith.index_cast %add3A_299 : i32 to index
          %get3A_302 = tpu.vector_load %arg4[%get3A_300, %get3A_301] {strides = array<i32>} : memref<4x4096xf32, #tpu.memory_space<vmem>>, vector<16xf32>,
          %gt3A_303 = arith.cmpf ogt, %get3A_302, %sub3A_117 : vector<16xf32>
          %jit3A_304 = arith.constant 1 : i32
          %jit3A_305 = arith.constant 0 : i32
          %broadcast_in_dim3A_306 = vector.broadcast %jit3A_304 : i32 to vector<16xi32>
          %broadcast_in_dim3A_307 = vector.broadcast %jit3A_305 : i32 to vector<16xi32>
          %select_n3A_308 = arith.select %gt3A_303, %broadcast_in_dim3A_306, %broadcast_in_dim3A_307 : vector<16xi1>, vector<16xi32>
          %broadcast_in_dim3A_309 = arith.constant true
          %broadcast_in_dim3A_310 = vector.broadcast %broadcast_in_dim3A_309 : i1 to vector<16xi1>
          %masked_cumsum3A_311 = tpu.scan <sum>, %select_n3A_308 masked %broadcast_in_dim3A_310 : vector<16xi32>, vector<16xi1> -> vector<16xi32>
          %all_reduce_population_count3A_312 = tpu.all_reduce %gt3A_303 {dim = 0 : i64, kind = #tpu.reduction_kind<sum>} : vector<16xi1> -> vector<16xi32>
          %add3A_313 = arith.constant 112 : i32
          %add3A_314 = arith.addi %mul3A_211, %add3A_313 : i32
          %get3A_315 = arith.index_cast %scan3A_93 : i32 to index
          %get3A_316 = arith.index_cast %add3A_314 : i32 to index
          %get3A_317 = tpu.vector_load %arg4[%get3A_315, %get3A_316] {strides = array<i32>} : memref<4x4096xf32, #tpu.memory_space<vmem>>, vector<16xf32>,
          %gt3A_318 = arith.cmpf ogt, %get3A_317, %sub3A_117 : vector<16xf32>
          %jit3A_319 = arith.constant 1 : i32
          %jit3A_320 = arith.constant 0 : i32
          %broadcast_in_dim3A_321 = vector.broadcast %jit3A_319 : i32 to vector<16xi32>
          %broadcast_in_dim3A_322 = vector.broadcast %jit3A_320 : i32 to vector<16xi32>
          %select_n3A_323 = arith.select %gt3A_318, %broadcast_in_dim3A_321, %broadcast_in_dim3A_322 : vector<16xi1>, vector<16xi32>
          %broadcast_in_dim3A_324 = arith.constant true
          %broadcast_in_dim3A_325 = vector.broadcast %broadcast_in_dim3A_324 : i1 to vector<16xi1>
          %masked_cumsum3A_326 = tpu.scan <sum>, %select_n3A_323 masked %broadcast_in_dim3A_325 : vector<16xi32>, vector<16xi1> -> vector<16xi32>
          %all_reduce_population_count3A_327 = tpu.all_reduce %gt3A_318 {dim = 0 : i64, kind = #tpu.reduction_kind<sum>} : vector<16xi1> -> vector<16xi32>
          %add3A_328 = arith.addi %scan3A_209, %masked_cumsum3A_222 : vector<16xi32>
          %sub3A_329 = arith.constant 1 : i32
          %sub3A_330 = vector.broadcast %sub3A_329 : i32 to vector<16xi32>
          %sub3A_331 = arith.subi %add3A_328, %sub3A_330 : vector<16xi32>
          tpu.vector_store_idx %arg8[%sub3A_331], %get3A_215 masked %gt3A_216 : memref<4112xf32, #tpu.memory_space<vmem>>[vector<16xi32>], vector<16xf32>, vector<16xi1>
          %add3A_332 = arith.addi %scan3A_209, %all_reduce_population_count3A : vector<16xi32>
          %add3A_333 = arith.addi %add3A_332, %masked_cumsum3A_236 : vector<16xi32>
          %sub3A_334 = arith.constant 1 : i32
          %sub3A_335 = vector.broadcast %sub3A_334 : i32 to vector<16xi32>
          %sub3A_336 = arith.subi %add3A_333, %sub3A_335 : vector<16xi32>
          tpu.vector_store_idx %arg8[%sub3A_336], %get3A_227 masked %gt3A_228 : memref<4112xf32, #tpu.memory_space<vmem>>[vector<16xi32>], vector<16xf32>, vector<16xi1>
          %add3A_337 = arith.addi %add3A_332, %all_reduce_population_count3A_237 : vector<16xi32>
          %add3A_338 = arith.addi %add3A_337, %masked_cumsum3A_251 : vector<16xi32>
          %sub3A_339 = arith.constant 1 : i32
          %sub3A_340 = vector.broadcast %sub3A_339 : i32 to vector<16xi32>
          %sub3A_341 = arith.subi %add3A_338, %sub3A_340 : vector<16xi32>
          tpu.vector_store_idx %arg8[%sub3A_341], %get3A_242 masked %gt3A_243 : memref<4112xf32, #tpu.memory_space<vmem>>[vector<16xi32>], vector<16xf32>, vector<16xi1>
          %add3A_342 = arith.addi %add3A_337, %all_reduce_population_count3A_252 : vector<16xi32>
          %add3A_343 = arith.addi %add3A_342, %masked_cumsum3A_266 : vector<16xi32>
          %sub3A_344 = arith.constant 1 : i32
          %sub3A_345 = vector.broadcast %sub3A_344 : i32 to vector<16xi32>
          %sub3A_346 = arith.subi %add3A_343, %sub3A_345 : vector<16xi32>
          tpu.vector_store_idx %arg8[%sub3A_346], %get3A_257 masked %gt3A_258 : memref<4112xf32, #tpu.memory_space<vmem>>[vector<16xi32>], vector<16xf32>, vector<16xi1>
          %add3A_347 = arith.addi %add3A_342, %all_reduce_population_count3A_267 : vector<16xi32>
          %add3A_348 = arith.addi %add3A_347, %masked_cumsum3A_281 : vector<16xi32>
          %sub3A_349 = arith.constant 1 : i32
          %sub3A_350 = vector.broadcast %sub3A_349 : i32 to vector<16xi32>
          %sub3A_351 = arith.subi %add3A_348, %sub3A_350 : vector<16xi32>
          tpu.vector_store_idx %arg8[%sub3A_351], %get3A_272 masked %gt3A_273 : memref<4112xf32, #tpu.memory_space<vmem>>[vector<16xi32>], vector<16xf32>, vector<16xi1>
          %add3A_352 = arith.addi %add3A_347, %all_reduce_population_count3A_282 : vector<16xi32>
          %add3A_353 = arith.addi %add3A_352, %masked_cumsum3A_296 : vector<16xi32>
          %sub3A_354 = arith.constant 1 : i32
          %sub3A_355 = vector.broadcast %sub3A_354 : i32 to vector<16xi32>
          %sub3A_356 = arith.subi %add3A_353, %sub3A_355 : vector<16xi32>
          tpu.vector_store_idx %arg8[%sub3A_356], %get3A_287 masked %gt3A_288 : memref<4112xf32, #tpu.memory_space<vmem>>[vector<16xi32>], vector<16xf32>, vector<16xi1>
          %add3A_357 = arith.addi %add3A_352, %all_reduce_population_count3A_297 : vector<16xi32>
          %add3A_358 = arith.addi %add3A_357, %masked_cumsum3A_311 : vector<16xi32>
          %sub3A_359 = arith.constant 1 : i32
          %sub3A_360 = vector.broadcast %sub3A_359 : i32 to vector<16xi32>
          %sub3A_361 = arith.subi %add3A_358, %sub3A_360 : vector<16xi32>
          tpu.vector_store_idx %arg8[%sub3A_361], %get3A_302 masked %gt3A_303 : memref<4112xf32, #tpu.memory_space<vmem>>[vector<16xi32>], vector<16xf32>, vector<16xi1>
          %add3A_362 = arith.addi %add3A_357, %all_reduce_population_count3A_312 : vector<16xi32>
          %add3A_363 = arith.addi %add3A_362, %masked_cumsum3A_326 : vector<16xi32>
          %sub3A_364 = arith.constant 1 : i32
          %sub3A_365 = vector.broadcast %sub3A_364 : i32 to vector<16xi32>
          %sub3A_366 = arith.subi %add3A_363, %sub3A_365 : vector<16xi32>
          tpu.vector_store_idx %arg8[%sub3A_366], %get3A_317 masked %gt3A_318 : memref<4112xf32, #tpu.memory_space<vmem>>[vector<16xi32>], vector<16xf32>, vector<16xi1>
          %add3A_367 = arith.addi %add3A_362, %all_reduce_population_count3A_327 : vector<16xi32>
          scf.yield %add3A_367 : vector<16xi32>
        }
        %scan3A_125 = arith.constant 32 : i32
        %slice3A = vector.extract_strided_slice %scan3A_124 {offsets = [0], sizes = [1], strides = [1]} : vector<16xi32> to vector<1xi32>
        %squeeze3A = vector.extract %slice3A[0] : i32 from vector<1xi32>
        %sub3A_126 = arith.constant 1.000000e+00 : f32
        %sub3A_127 = vector.broadcast %sub3A_126 : f32 to vector<16xf32>
        %sub3A_128 = arith.subf %sub3A_117, %sub3A_127 : vector<16xf32>
        %swap3A = arith.index_cast %squeeze3A : i32 to index
        %swap3A_129 = tpu.vector_load %arg8[%swap3A] {strides = array<i32>} : memref<4112xf32, #tpu.memory_space<vmem>>, vector<16xf32>,
        tpu.vector_store %arg8[%swap3A], %sub3A_128 {strides = array<i32>} : memref<4112xf32, #tpu.memory_space<vmem>>, vector<16xf32>,
        %add3A_130 = arith.constant 15 : i32
        %add3A_131 = arith.addi %squeeze3A, %add3A_130 : i32
        %shift_right_logical3A = arith.constant 4 : i32
        %shift_right_logical3A_132 = arith.shrui %add3A_131, %shift_right_logical3A : i32
        %scan3A_133 = arith.constant 0 : i32
        %scan3A_134 = arith.constant 12 : i32
        %scan3A_135 = arith.addi %scan3A_133, %scan3A_134 : i32
        %scan3A_136 = arith.constant 1 : i32
        %scan3A_137:2 = scf.for %scan3A_208 = %scan3A_133 to %scan3A_135 step %scan3A_136 iter_args(%scan3A_209 = %sub3A_117, %scan3A_210 = %masked_cummax3A_115) -> (vector<16xf32>, vector<16xf32>)  : i32 {
          %add3A_211 = arith.addf %scan3A_209, %scan3A_210 : vector<16xf32>
          %mul3A_212 = arith.constant 5.000000e-01 : f32
          %mul3A_213 = vector.broadcast %mul3A_212 : f32 to vector<16xf32>
          %mul3A_214 = arith.mulf %mul3A_213, %add3A_211 : vector<16xf32>
          %broadcast_in_dim3A_215 = arith.constant 0.000000e+00 : f32
          %broadcast_in_dim3A_216 = vector.broadcast %broadcast_in_dim3A_215 : f32 to vector<16xf32>
          %while3A_217 = arith.constant 0 : i32
          %while3A_218 = arith.subi %shift_right_logical3A_132, %while3A_217 : i32
          %while3A_219 = arith.addi %while3A_217, %while3A_218 : i32
          %while3A_220 = arith.constant 1 : i32
          %while3A_221 = arith.divsi %while3A_218, %while3A_220 : i32
          %while3A_222 = arith.muli %while3A_221, %while3A_220 : i32
          %while3A_223 = arith.addi %while3A_217, %while3A_222 : i32
          %while3A_224 = arith.constant 1 : i32
          %while3A_225 = scf.for %while3A_242 = %while3A_217 to %while3A_223 step %while3A_224 iter_args(%while3A_243 = %broadcast_in_dim3A_216) -> (vector<16xf32>)  : i32 {
            %mul3A_244 = arith.constant 16 : i32
            %mul3A_245 = arith.muli %while3A_242, %mul3A_244 : i32
            %get3A = arith.index_cast %mul3A_245 : i32 to index
            %get3A_246 = tpu.vector_load %arg8[%get3A] {strides = array<i32>} : memref<4112xf32, #tpu.memory_space<vmem>>, vector<16xf32>,
            %sub3A_247 = arith.subf %get3A_246, %mul3A_214 : vector<16xf32>
            %max3A_248 = arith.constant 0.000000e+00 : f32
            %max3A_249 = vector.broadcast %max3A_248 : f32 to vector<16xf32>
            %max3A_250 = arith.maximumf %sub3A_247, %max3A_249 : vector<16xf32>
            %add3A_251 = arith.addf %while3A_243, %max3A_250 : vector<16xf32>
            scf.yield %add3A_251 : vector<16xf32>
          }
          %while3A_226 = arith.constant 1 : i32
          %while3A_227 = scf.for %while3A_242 = %while3A_223 to %while3A_219 step %while3A_226 iter_args(%while3A_243 = %while3A_225) -> (vector<16xf32>)  : i32 {
            %mul3A_244 = arith.constant 16 : i32
            %mul3A_245 = arith.muli %while3A_242, %mul3A_244 : i32
            %get3A = arith.index_cast %mul3A_245 : i32 to index
            %get3A_246 = tpu.vector_load %arg8[%get3A] {strides = array<i32>} : memref<4112xf32, #tpu.memory_space<vmem>>, vector<16xf32>,
            %sub3A_247 = arith.subf %get3A_246, %mul3A_214 : vector<16xf32>
            %max3A_248 = arith.constant 0.000000e+00 : f32
            %max3A_249 = vector.broadcast %max3A_248 : f32 to vector<16xf32>
            %max3A_250 = arith.maximumf %sub3A_247, %max3A_249 : vector<16xf32>
            %add3A_251 = arith.addf %while3A_243, %max3A_250 : vector<16xf32>
            scf.yield %add3A_251 : vector<16xf32>
          }
          %broadcast_in_dim3A_228 = arith.constant true
          %broadcast_in_dim3A_229 = vector.broadcast %broadcast_in_dim3A_228 : i1 to vector<16xi1>
          %masked_cumsum3A_230 = tpu.scan <sum>, %while3A_227 masked %broadcast_in_dim3A_229 : vector<16xf32>, vector<16xi1> -> vector<16xf32>
          %rev3A_231 = arith.constant 15 : i32
          %rev3A_232 = vector.broadcast %rev3A_231 : i32 to vector<16xi32>
          %rev3A_233 = tpu.iota {dimensions = array<i32: 0>} : vector<16xi32>
          %rev3A_234 = arith.subi %rev3A_232, %rev3A_233 : vector<16xi32>
          %rev3A_235 = tpu.dynamic_gather %masked_cumsum3A_230[%rev3A_234] in [0] : vector<16xf32>, vector<16xi32> -> vector<16xf32>
          %broadcast_in_dim3A_236 = arith.constant true
          %broadcast_in_dim3A_237 = vector.broadcast %broadcast_in_dim3A_236 : i1 to vector<16xi1>
          %masked_cummax3A_238 = tpu.scan <max>, %rev3A_235 masked %broadcast_in_dim3A_237 : vector<16xf32>, vector<16xi1> -> vector<16xf32>
          %ge3A = arith.constant 1.000000e+00 : f32
          %ge3A_239 = vector.broadcast %ge3A : f32 to vector<16xf32>
          %ge3A_240 = arith.cmpf oge, %masked_cummax3A_238, %ge3A_239 : vector<16xf32>
          %select_n3A = arith.select %ge3A_240, %mul3A_214, %scan3A_209 : vector<16xi1>, vector<16xf32>
          %select_n3A_241 = arith.select %ge3A_240, %scan3A_210, %mul3A_214 : vector<16xi1>, vector<16xf32>
          scf.yield %select_n3A, %select_n3A_241 : vector<16xf32>, vector<16xf32>
        }
        %scan3A_138 = arith.constant 12 : i32
        %broadcast_in_dim3A_139 = arith.constant 0.000000e+00 : f32
        %broadcast_in_dim3A_140 = vector.broadcast %broadcast_in_dim3A_139 : f32 to vector<16xf32>
        %broadcast_in_dim3A_141 = arith.constant 0.000000e+00 : f32
        %broadcast_in_dim3A_142 = vector.broadcast %broadcast_in_dim3A_141 : f32 to vector<16xf32>
        %while3A = arith.constant 0 : i32
        %while3A_143 = arith.subi %shift_right_logical3A_132, %while3A : i32
        %while3A_144 = arith.addi %while3A, %while3A_143 : i32
        %while3A_145 = arith.constant 1 : i32
        %while3A_146 = arith.divsi %while3A_143, %while3A_145 : i32
        %while3A_147 = arith.muli %while3A_146, %while3A_145 : i32
        %while3A_148 = arith.addi %while3A, %while3A_147 : i32
        %while3A_149 = arith.constant 1 : i32
        %while3A_150:2 = scf.for %while3A_208 = %while3A to %while3A_148 step %while3A_149 iter_args(%while3A_209 = %broadcast_in_dim3A_140, %while3A_210 = %broadcast_in_dim3A_142) -> (vector<16xf32>, vector<16xf32>)  : i32 {
          %mul3A_211 = arith.constant 16 : i32
          %mul3A_212 = arith.muli %while3A_208, %mul3A_211 : i32
          %get3A = arith.index_cast %mul3A_212 : i32 to index
          %get3A_213 = tpu.vector_load %arg8[%get3A] {strides = array<i32>} : memref<4112xf32, #tpu.memory_space<vmem>>, vector<16xf32>,
          %gt3A_214 = arith.cmpf ogt, %get3A_213, %scan3A_137#0 : vector<16xf32>
          %sub3A_215 = arith.subf %get3A_213, %sub3A_117 : vector<16xf32>
          %jit3A = arith.constant 0.000000e+00 : f32
          %broadcast_in_dim3A_216 = vector.broadcast %jit3A : f32 to vector<16xf32>
          %select_n3A = arith.select %gt3A_214, %sub3A_215, %broadcast_in_dim3A_216 : vector<16xi1>, vector<16xf32>
          %add3A_217 = arith.addf %while3A_209, %select_n3A : vector<16xf32>
          %jit3A_218 = arith.constant 1.000000e+00 : f32
          %jit3A_219 = arith.constant 0.000000e+00 : f32
          %broadcast_in_dim3A_220 = vector.broadcast %jit3A_218 : f32 to vector<16xf32>
          %broadcast_in_dim3A_221 = vector.broadcast %jit3A_219 : f32 to vector<16xf32>
          %select_n3A_222 = arith.select %gt3A_214, %broadcast_in_dim3A_220, %broadcast_in_dim3A_221 : vector<16xi1>, vector<16xf32>
          %add3A_223 = arith.addf %while3A_210, %select_n3A_222 : vector<16xf32>
          scf.yield %add3A_217, %add3A_223 : vector<16xf32>, vector<16xf32>
        }
        %while3A_151 = arith.constant 1 : i32
        %while3A_152:2 = scf.for %while3A_208 = %while3A_148 to %while3A_144 step %while3A_151 iter_args(%while3A_209 = %while3A_150#0, %while3A_210 = %while3A_150#1) -> (vector<16xf32>, vector<16xf32>)  : i32 {
          %mul3A_211 = arith.constant 16 : i32
          %mul3A_212 = arith.muli %while3A_208, %mul3A_211 : i32
          %get3A = arith.index_cast %mul3A_212 : i32 to index
          %get3A_213 = tpu.vector_load %arg8[%get3A] {strides = array<i32>} : memref<4112xf32, #tpu.memory_space<vmem>>, vector<16xf32>,
          %gt3A_214 = arith.cmpf ogt, %get3A_213, %scan3A_137#0 : vector<16xf32>
          %sub3A_215 = arith.subf %get3A_213, %sub3A_117 : vector<16xf32>
          %jit3A = arith.constant 0.000000e+00 : f32
          %broadcast_in_dim3A_216 = vector.broadcast %jit3A : f32 to vector<16xf32>
          %select_n3A = arith.select %gt3A_214, %sub3A_215, %broadcast_in_dim3A_216 : vector<16xi1>, vector<16xf32>
          %add3A_217 = arith.addf %while3A_209, %select_n3A : vector<16xf32>
          %jit3A_218 = arith.constant 1.000000e+00 : f32
          %jit3A_219 = arith.constant 0.000000e+00 : f32
          %broadcast_in_dim3A_220 = vector.broadcast %jit3A_218 : f32 to vector<16xf32>
          %broadcast_in_dim3A_221 = vector.broadcast %jit3A_219 : f32 to vector<16xf32>
          %select_n3A_222 = arith.select %gt3A_214, %broadcast_in_dim3A_220, %broadcast_in_dim3A_221 : vector<16xi1>, vector<16xf32>
          %add3A_223 = arith.addf %while3A_210, %select_n3A_222 : vector<16xf32>
          scf.yield %add3A_217, %add3A_223 : vector<16xf32>, vector<16xf32>
        }
        %broadcast_in_dim3A_153 = arith.constant true
        %broadcast_in_dim3A_154 = vector.broadcast %broadcast_in_dim3A_153 : i1 to vector<16xi1>
        %masked_cumsum3A = tpu.scan <sum>, %while3A_152#1 masked %broadcast_in_dim3A_154 : vector<16xf32>, vector<16xi1> -> vector<16xf32>
        %rev3A_155 = arith.constant 15 : i32
        %rev3A_156 = vector.broadcast %rev3A_155 : i32 to vector<16xi32>
        %rev3A_157 = tpu.iota {dimensions = array<i32: 0>} : vector<16xi32>
        %rev3A_158 = arith.subi %rev3A_156, %rev3A_157 : vector<16xi32>
        %rev3A_159 = tpu.dynamic_gather %masked_cumsum3A[%rev3A_158] in [0] : vector<16xf32>, vector<16xi32> -> vector<16xf32>
        %broadcast_in_dim3A_160 = arith.constant true
        %broadcast_in_dim3A_161 = vector.broadcast %broadcast_in_dim3A_160 : i1 to vector<16xi1>
        %masked_cummax3A_162 = tpu.scan <max>, %rev3A_159 masked %broadcast_in_dim3A_161 : vector<16xf32>, vector<16xi1> -> vector<16xf32>
        %max3A_163 = arith.constant 1.000000e+00 : f32
        %max3A_164 = vector.broadcast %max3A_163 : f32 to vector<16xf32>
        %max3A_165 = arith.maximumf %masked_cummax3A_162, %max3A_164 : vector<16xf32>
        %broadcast_in_dim3A_166 = arith.constant true
        %broadcast_in_dim3A_167 = vector.broadcast %broadcast_in_dim3A_166 : i1 to vector<16xi1>
        %masked_cumsum3A_168 = tpu.scan <sum>, %while3A_152#0 masked %broadcast_in_dim3A_167 : vector<16xf32>, vector<16xi1> -> vector<16xf32>
        %rev3A_169 = arith.constant 15 : i32
        %rev3A_170 = vector.broadcast %rev3A_169 : i32 to vector<16xi32>
        %rev3A_171 = tpu.iota {dimensions = array<i32: 0>} : vector<16xi32>
        %rev3A_172 = arith.subi %rev3A_170, %rev3A_171 : vector<16xi32>
        %rev3A_173 = tpu.dynamic_gather %masked_cumsum3A_168[%rev3A_172] in [0] : vector<16xf32>, vector<16xi32> -> vector<16xf32>
        %broadcast_in_dim3A_174 = arith.constant true
        %broadcast_in_dim3A_175 = vector.broadcast %broadcast_in_dim3A_174 : i1 to vector<16xi1>
        %masked_cummax3A_176 = tpu.scan <max>, %rev3A_173 masked %broadcast_in_dim3A_175 : vector<16xf32>, vector<16xi1> -> vector<16xf32>
        %mul3A_177 = arith.mulf %max3A_165, %sub3A_117 : vector<16xf32>
        %add3A_178 = arith.addf %masked_cummax3A_176, %mul3A_177 : vector<16xf32>
        %sub3A_179 = arith.constant 1.000000e+00 : f32
        %sub3A_180 = vector.broadcast %sub3A_179 : f32 to vector<16xf32>
        %sub3A_181 = arith.subf %add3A_178, %sub3A_180 : vector<16xf32>
        %bitcast3A = vector.bitcast %max3A_165 : vector<16xf32> to vector<16xi32>
        %broadcast_in_dim3A_182 = arith.constant 2129859011 : i32
        %broadcast_in_dim3A_183 = vector.broadcast %broadcast_in_dim3A_182 : i32 to vector<16xi32>
        %sub3A_184 = arith.subi %broadcast_in_dim3A_183, %bitcast3A : vector<16xi32>
        %bitcast3A_185 = vector.bitcast %sub3A_184 : vector<16xi32> to vector<16xf32>
        %mul3A_186 = arith.mulf %max3A_165, %bitcast3A_185 : vector<16xf32>
        %sub3A_187 = arith.constant 2.000000e+00 : f32
        %sub3A_188 = vector.broadcast %sub3A_187 : f32 to vector<16xf32>
        %sub3A_189 = arith.subf %sub3A_188, %mul3A_186 : vector<16xf32>
        %mul3A_190 = arith.mulf %bitcast3A_185, %sub3A_189 : vector<16xf32>
        %mul3A_191 = arith.mulf %max3A_165, %mul3A_190 : vector<16xf32>
        %sub3A_192 = arith.constant 2.000000e+00 : f32
        %sub3A_193 = vector.broadcast %sub3A_192 : f32 to vector<16xf32>
        %sub3A_194 = arith.subf %sub3A_193, %mul3A_191 : vector<16xf32>
        %mul3A_195 = arith.mulf %mul3A_190, %sub3A_194 : vector<16xf32>
        %mul3A_196 = arith.mulf %max3A_165, %mul3A_195 : vector<16xf32>
        %sub3A_197 = arith.constant 2.000000e+00 : f32
        %sub3A_198 = vector.broadcast %sub3A_197 : f32 to vector<16xf32>
        %sub3A_199 = arith.subf %sub3A_198, %mul3A_196 : vector<16xf32>
        %mul3A_200 = arith.mulf %mul3A_195, %sub3A_199 : vector<16xf32>
        %mul3A_201 = arith.mulf %sub3A_181, %mul3A_200 : vector<16xf32>
        %scan3A_202 = arith.constant 0 : i32
        %scan3A_203 = arith.constant 0 : i32
        %scan3A_204 = arith.constant 32 : i32
        %scan3A_205 = arith.addi %scan3A_203, %scan3A_204 : i32
        %scan3A_206 = arith.constant 1 : i32
        scf.for %scan3A_208 = %scan3A_203 to %scan3A_205 step %scan3A_206  : i32 {
          %mul3A_209 = arith.constant 128 : i32
          %mul3A_210 = arith.muli %scan3A_208, %mul3A_209 : i32
          %add3A_211 = arith.constant 0 : i32
          %add3A_212 = arith.addi %mul3A_210, %add3A_211 : i32
          %get3A = arith.index_cast %scan3A_93 : i32 to index
          %get3A_213 = arith.index_cast %add3A_212 : i32 to index
          %get3A_214 = tpu.vector_load %arg4[%get3A, %get3A_213] {strides = array<i32>} : memref<4x4096xf32, #tpu.memory_space<vmem>>, vector<16xf32>,
          %sub3A_215 = arith.subf %get3A_214, %mul3A_201 : vector<16xf32>
          %max3A_216 = arith.constant 0.000000e+00 : f32
          %max3A_217 = vector.broadcast %max3A_216 : f32 to vector<16xf32>
          %max3A_218 = arith.maximumf %sub3A_215, %max3A_217 : vector<16xf32>
          %add3A_219 = arith.constant 0 : i32
          %add3A_220 = arith.addi %mul3A_210, %add3A_219 : i32
          %swap3A_221 = arith.index_cast %scan3A_93 : i32 to index
          %swap3A_222 = arith.index_cast %add3A_220 : i32 to index
          %swap3A_223 = tpu.vector_load %arg6[%swap3A_221, %swap3A_222] {strides = array<i32>} : memref<4x4096xf32, #tpu.memory_space<vmem>>, vector<16xf32>,
          tpu.vector_store %arg6[%swap3A_221, %swap3A_222], %max3A_218 {strides = array<i32>} : memref<4x4096xf32, #tpu.memory_space<vmem>>, vector<16xf32>,
          %add3A_224 = arith.constant 16 : i32
          %add3A_225 = arith.addi %mul3A_210, %add3A_224 : i32
          %get3A_226 = arith.index_cast %scan3A_93 : i32 to index
          %get3A_227 = arith.index_cast %add3A_225 : i32 to index
          %get3A_228 = tpu.vector_load %arg4[%get3A_226, %get3A_227] {strides = array<i32>} : memref<4x4096xf32, #tpu.memory_space<vmem>>, vector<16xf32>,
          %sub3A_229 = arith.subf %get3A_228, %mul3A_201 : vector<16xf32>
          %max3A_230 = arith.constant 0.000000e+00 : f32
          %max3A_231 = vector.broadcast %max3A_230 : f32 to vector<16xf32>
          %max3A_232 = arith.maximumf %sub3A_229, %max3A_231 : vector<16xf32>
          %add3A_233 = arith.constant 16 : i32
          %add3A_234 = arith.addi %mul3A_210, %add3A_233 : i32
          %swap3A_235 = arith.index_cast %scan3A_93 : i32 to index
          %swap3A_236 = arith.index_cast %add3A_234 : i32 to index
          %swap3A_237 = tpu.vector_load %arg6[%swap3A_235, %swap3A_236] {strides = array<i32>} : memref<4x4096xf32, #tpu.memory_space<vmem>>, vector<16xf32>,
          tpu.vector_store %arg6[%swap3A_235, %swap3A_236], %max3A_232 {strides = array<i32>} : memref<4x4096xf32, #tpu.memory_space<vmem>>, vector<16xf32>,
          %add3A_238 = arith.constant 32 : i32
          %add3A_239 = arith.addi %mul3A_210, %add3A_238 : i32
          %get3A_240 = arith.index_cast %scan3A_93 : i32 to index
          %get3A_241 = arith.index_cast %add3A_239 : i32 to index
          %get3A_242 = tpu.vector_load %arg4[%get3A_240, %get3A_241] {strides = array<i32>} : memref<4x4096xf32, #tpu.memory_space<vmem>>, vector<16xf32>,
          %sub3A_243 = arith.subf %get3A_242, %mul3A_201 : vector<16xf32>
          %max3A_244 = arith.constant 0.000000e+00 : f32
          %max3A_245 = vector.broadcast %max3A_244 : f32 to vector<16xf32>
          %max3A_246 = arith.maximumf %sub3A_243, %max3A_245 : vector<16xf32>
          %add3A_247 = arith.constant 32 : i32
          %add3A_248 = arith.addi %mul3A_210, %add3A_247 : i32
          %swap3A_249 = arith.index_cast %scan3A_93 : i32 to index
          %swap3A_250 = arith.index_cast %add3A_248 : i32 to index
          %swap3A_251 = tpu.vector_load %arg6[%swap3A_249, %swap3A_250] {strides = array<i32>} : memref<4x4096xf32, #tpu.memory_space<vmem>>, vector<16xf32>,
          tpu.vector_store %arg6[%swap3A_249, %swap3A_250], %max3A_246 {strides = array<i32>} : memref<4x4096xf32, #tpu.memory_space<vmem>>, vector<16xf32>,
          %add3A_252 = arith.constant 48 : i32
          %add3A_253 = arith.addi %mul3A_210, %add3A_252 : i32
          %get3A_254 = arith.index_cast %scan3A_93 : i32 to index
          %get3A_255 = arith.index_cast %add3A_253 : i32 to index
          %get3A_256 = tpu.vector_load %arg4[%get3A_254, %get3A_255] {strides = array<i32>} : memref<4x4096xf32, #tpu.memory_space<vmem>>, vector<16xf32>,
          %sub3A_257 = arith.subf %get3A_256, %mul3A_201 : vector<16xf32>
          %max3A_258 = arith.constant 0.000000e+00 : f32
          %max3A_259 = vector.broadcast %max3A_258 : f32 to vector<16xf32>
          %max3A_260 = arith.maximumf %sub3A_257, %max3A_259 : vector<16xf32>
          %add3A_261 = arith.constant 48 : i32
          %add3A_262 = arith.addi %mul3A_210, %add3A_261 : i32
          %swap3A_263 = arith.index_cast %scan3A_93 : i32 to index
          %swap3A_264 = arith.index_cast %add3A_262 : i32 to index
          %swap3A_265 = tpu.vector_load %arg6[%swap3A_263, %swap3A_264] {strides = array<i32>} : memref<4x4096xf32, #tpu.memory_space<vmem>>, vector<16xf32>,
          tpu.vector_store %arg6[%swap3A_263, %swap3A_264], %max3A_260 {strides = array<i32>} : memref<4x4096xf32, #tpu.memory_space<vmem>>, vector<16xf32>,
          %add3A_266 = arith.constant 64 : i32
          %add3A_267 = arith.addi %mul3A_210, %add3A_266 : i32
          %get3A_268 = arith.index_cast %scan3A_93 : i32 to index
          %get3A_269 = arith.index_cast %add3A_267 : i32 to index
          %get3A_270 = tpu.vector_load %arg4[%get3A_268, %get3A_269] {strides = array<i32>} : memref<4x4096xf32, #tpu.memory_space<vmem>>, vector<16xf32>,
          %sub3A_271 = arith.subf %get3A_270, %mul3A_201 : vector<16xf32>
          %max3A_272 = arith.constant 0.000000e+00 : f32
          %max3A_273 = vector.broadcast %max3A_272 : f32 to vector<16xf32>
          %max3A_274 = arith.maximumf %sub3A_271, %max3A_273 : vector<16xf32>
          %add3A_275 = arith.constant 64 : i32
          %add3A_276 = arith.addi %mul3A_210, %add3A_275 : i32
          %swap3A_277 = arith.index_cast %scan3A_93 : i32 to index
          %swap3A_278 = arith.index_cast %add3A_276 : i32 to index
          %swap3A_279 = tpu.vector_load %arg6[%swap3A_277, %swap3A_278] {strides = array<i32>} : memref<4x4096xf32, #tpu.memory_space<vmem>>, vector<16xf32>,
          tpu.vector_store %arg6[%swap3A_277, %swap3A_278], %max3A_274 {strides = array<i32>} : memref<4x4096xf32, #tpu.memory_space<vmem>>, vector<16xf32>,
          %add3A_280 = arith.constant 80 : i32
          %add3A_281 = arith.addi %mul3A_210, %add3A_280 : i32
          %get3A_282 = arith.index_cast %scan3A_93 : i32 to index
          %get3A_283 = arith.index_cast %add3A_281 : i32 to index
          %get3A_284 = tpu.vector_load %arg4[%get3A_282, %get3A_283] {strides = array<i32>} : memref<4x4096xf32, #tpu.memory_space<vmem>>, vector<16xf32>,
          %sub3A_285 = arith.subf %get3A_284, %mul3A_201 : vector<16xf32>
          %max3A_286 = arith.constant 0.000000e+00 : f32
          %max3A_287 = vector.broadcast %max3A_286 : f32 to vector<16xf32>
          %max3A_288 = arith.maximumf %sub3A_285, %max3A_287 : vector<16xf32>
          %add3A_289 = arith.constant 80 : i32
          %add3A_290 = arith.addi %mul3A_210, %add3A_289 : i32
          %swap3A_291 = arith.index_cast %scan3A_93 : i32 to index
          %swap3A_292 = arith.index_cast %add3A_290 : i32 to index
          %swap3A_293 = tpu.vector_load %arg6[%swap3A_291, %swap3A_292] {strides = array<i32>} : memref<4x4096xf32, #tpu.memory_space<vmem>>, vector<16xf32>,
          tpu.vector_store %arg6[%swap3A_291, %swap3A_292], %max3A_288 {strides = array<i32>} : memref<4x4096xf32, #tpu.memory_space<vmem>>, vector<16xf32>,
          %add3A_294 = arith.constant 96 : i32
          %add3A_295 = arith.addi %mul3A_210, %add3A_294 : i32
          %get3A_296 = arith.index_cast %scan3A_93 : i32 to index
          %get3A_297 = arith.index_cast %add3A_295 : i32 to index
          %get3A_298 = tpu.vector_load %arg4[%get3A_296, %get3A_297] {strides = array<i32>} : memref<4x4096xf32, #tpu.memory_space<vmem>>, vector<16xf32>,
          %sub3A_299 = arith.subf %get3A_298, %mul3A_201 : vector<16xf32>
          %max3A_300 = arith.constant 0.000000e+00 : f32
          %max3A_301 = vector.broadcast %max3A_300 : f32 to vector<16xf32>
          %max3A_302 = arith.maximumf %sub3A_299, %max3A_301 : vector<16xf32>
          %add3A_303 = arith.constant 96 : i32
          %add3A_304 = arith.addi %mul3A_210, %add3A_303 : i32
          %swap3A_305 = arith.index_cast %scan3A_93 : i32 to index
          %swap3A_306 = arith.index_cast %add3A_304 : i32 to index
          %swap3A_307 = tpu.vector_load %arg6[%swap3A_305, %swap3A_306] {strides = array<i32>} : memref<4x4096xf32, #tpu.memory_space<vmem>>, vector<16xf32>,
          tpu.vector_store %arg6[%swap3A_305, %swap3A_306], %max3A_302 {strides = array<i32>} : memref<4x4096xf32, #tpu.memory_space<vmem>>, vector<16xf32>,
          %add3A_308 = arith.constant 112 : i32
          %add3A_309 = arith.addi %mul3A_210, %add3A_308 : i32
          %get3A_310 = arith.index_cast %scan3A_93 : i32 to index
          %get3A_311 = arith.index_cast %add3A_309 : i32 to index
          %get3A_312 = tpu.vector_load %arg4[%get3A_310, %get3A_311] {strides = array<i32>} : memref<4x4096xf32, #tpu.memory_space<vmem>>, vector<16xf32>,
          %sub3A_313 = arith.subf %get3A_312, %mul3A_201 : vector<16xf32>
          %max3A_314 = arith.constant 0.000000e+00 : f32
          %max3A_315 = vector.broadcast %max3A_314 : f32 to vector<16xf32>
          %max3A_316 = arith.maximumf %sub3A_313, %max3A_315 : vector<16xf32>
          %add3A_317 = arith.constant 112 : i32
          %add3A_318 = arith.addi %mul3A_210, %add3A_317 : i32
          %swap3A_319 = arith.index_cast %scan3A_93 : i32 to index
          %swap3A_320 = arith.index_cast %add3A_318 : i32 to index
          %swap3A_321 = tpu.vector_load %arg6[%swap3A_319, %swap3A_320] {strides = array<i32>} : memref<4x4096xf32, #tpu.memory_space<vmem>>, vector<16xf32>,
          tpu.vector_store %arg6[%swap3A_319, %swap3A_320], %max3A_316 {strides = array<i32>} : memref<4x4096xf32, #tpu.memory_space<vmem>>, vector<16xf32>,
        }
        %scan3A_207 = arith.constant 32 : i32
      }
      %scan3A_49 = arith.constant 4 : i32
      %dma_start3A_50 = arith.constant 0 : i32
      %dma_start3A_51 = tpu.memref_slice %arg3[%add3A_37, %dma_start3A_50] : memref<2816x4096xf32, #tpu.memory_space<hbm>> -> memref<4x4096xf32, #tpu.memory_space<hbm>>
      %dma_start3A_52 = arith.constant 0 : i32
      %dma_start3A_53 = tpu.memref_slice %arg3[%add3A_37, %dma_start3A_52] : memref<2816x4096xf32, #tpu.memory_space<hbm>> -> memref<4x4096xf32, #tpu.memory_space<hbm>>
      tpu.enqueue_dma source(%arg6 : memref<4x4096xf32, #tpu.memory_space<vmem>>) target(%dma_start3A_53 : memref<4x4096xf32, #tpu.memory_space<hbm>>) target_semaphore(%arg11 : memref<!tpu.dma_semaphore, #tpu.memory_space<semaphore_mem>>)
      %add3A_54 = arith.constant 2 : i32
      %add3A_55 = arith.addi %add3A_34, %add3A_54 : i32
      %lt3A = arith.constant 22 : i32
      %lt3A_56 = arith.cmpi slt, %add3A_55, %lt3A : i32
      %convert_element_type3A_57 = arith.extui %lt3A_56 : i1 to i32
      %cond3A_58 = arith.constant 0 : i32
      %cond3A_59 = arith.cmpi ne, %convert_element_type3A_57, %cond3A_58 : i32
      scf.if %cond3A_59 {
        %add3A_93 = arith.constant 8 : i32
        %add3A_94 = arith.addi %add3A_37, %add3A_93 : i32
        %dma_start3A_95 = arith.constant 0 : i32
        %dma_start3A_96 = tpu.memref_slice %arg2[%add3A_94, %dma_start3A_95] : memref<8192x4096xf32, #tpu.memory_space<hbm>> -> memref<4x4096xf32, #tpu.memory_space<hbm>>
        %dma_start3A_97 = arith.constant 0 : i32
        %dma_start3A_98 = tpu.memref_slice %arg2[%add3A_94, %dma_start3A_97] : memref<8192x4096xf32, #tpu.memory_space<hbm>> -> memref<4x4096xf32, #tpu.memory_space<hbm>>
        tpu.enqueue_dma source(%dma_start3A_98 : memref<4x4096xf32, #tpu.memory_space<hbm>>) target(%arg4 : memref<4x4096xf32, #tpu.memory_space<vmem>>) target_semaphore(%arg9 : memref<!tpu.dma_semaphore, #tpu.memory_space<semaphore_mem>>)
      } else {
      }
      %mul3A_60 = arith.constant 2 : i32
      %mul3A_61 = arith.muli %mul3A_60, %scan3A_30 : i32
      %add3A_62 = arith.constant 1 : i32
      %add3A_63 = arith.addi %mul3A_61, %add3A_62 : i32
      %mul3A_64 = arith.constant 4 : i32
      %mul3A_65 = arith.muli %add3A_63, %mul3A_64 : i32
      %add3A_66 = arith.addi %mul3A_2, %mul3A_65 : i32
      %dma_wait3A_67 = arith.constant 0 : i32
      %dma_wait3A_68 = tpu.memref_slice %arg2[%add3A_66, %dma_wait3A_67] : memref<8192x4096xf32, #tpu.memory_space<hbm>> -> memref<4x4096xf32, #tpu.memory_space<hbm>>
      %dma_wait3A_69 = arith.constant 0 : i32
      %dma_wait3A_70 = tpu.memref_slice %arg2[%add3A_66, %dma_wait3A_69] : memref<8192x4096xf32, #tpu.memory_space<hbm>> -> memref<4x4096xf32, #tpu.memory_space<hbm>>
      tpu.wait_dma2 semaphore(%arg10 : memref<!tpu.dma_semaphore, #tpu.memory_space<semaphore_mem>>) src(%dma_wait3A_70 : memref<4x4096xf32, #tpu.memory_space<hbm>>) dst(%arg5 : memref<4x4096xf32, #tpu.memory_space<vmem>>)
      %gt3A_71 = arith.constant 0 : i32
      %gt3A_72 = arith.cmpi sgt, %scan3A_30, %gt3A_71 : i32
      %convert_element_type3A_73 = arith.extui %gt3A_72 : i1 to i32
      %cond3A_74 = arith.constant 0 : i32
      %cond3A_75 = arith.cmpi ne, %convert_element_type3A_73, %cond3A_74 : i32
      scf.if %cond3A_75 {
        %sub3A = arith.constant 8 : i32
        %sub3A_93 = arith.subi %add3A_66, %sub3A : i32
        %dma_wait3A_94 = arith.constant 0 : i32
        %dma_wait3A_95 = tpu.memref_slice %arg3[%sub3A_93, %dma_wait3A_94] : memref<2816x4096xf32, #tpu.memory_space<hbm>> -> memref<4x4096xf32, #tpu.memory_space<hbm>>
        %dma_wait3A_96 = arith.constant 0 : i32
        %dma_wait3A_97 = tpu.memref_slice %arg3[%sub3A_93, %dma_wait3A_96] : memref<2816x4096xf32, #tpu.memory_space<hbm>> -> memref<4x4096xf32, #tpu.memory_space<hbm>>
        tpu.wait_dma2 semaphore(%arg12 : memref<!tpu.dma_semaphore, #tpu.memory_space<semaphore_mem>>) src(%arg7 : memref<4x4096xf32, #tpu.memory_space<vmem>>) dst(%dma_wait3A_97 : memref<4x4096xf32, #tpu.memory_space<hbm>>)
      } else {
      }
      %scan3A_76 = arith.constant 0 : i32
      %scan3A_77 = arith.constant 0 : i32
      %scan3A_78 = arith.constant 4 : i32
      %scan3A_79 = arith.addi %scan3A_77, %scan3A_78 : i32
      %scan3A_80 = arith.constant 1 : i32
      scf.for %scan3A_93 = %scan3A_77 to %scan3A_79 step %scan3A_80  : i32 {
        %broadcast_in_dim3A = arith.constant 0xFF800000 : f32
        %broadcast_in_dim3A_94 = vector.broadcast %broadcast_in_dim3A : f32 to vector<16xf32>
        %scan3A_95 = arith.constant 0 : i32
        %scan3A_96 = arith.constant 32 : i32
        %scan3A_97 = arith.addi %scan3A_95, %scan3A_96 : i32
        %scan3A_98 = arith.constant 1 : i32
        %scan3A_99:8 = scf.for %scan3A_208 = %scan3A_95 to %scan3A_97 step %scan3A_98 iter_args(%scan3A_209 = %broadcast_in_dim3A_94, %scan3A_210 = %broadcast_in_dim3A_94, %scan3A_211 = %broadcast_in_dim3A_94, %scan3A_212 = %broadcast_in_dim3A_94, %scan3A_213 = %broadcast_in_dim3A_94, %scan3A_214 = %broadcast_in_dim3A_94, %scan3A_215 = %broadcast_in_dim3A_94, %scan3A_216 = %broadcast_in_dim3A_94) -> (vector<16xf32>, vector<16xf32>, vector<16xf32>, vector<16xf32>, vector<16xf32>, vector<16xf32>, vector<16xf32>, vector<16xf32>)  : i32 {
          %mul3A_217 = arith.constant 128 : i32
          %mul3A_218 = arith.muli %scan3A_208, %mul3A_217 : i32
          %add3A_219 = arith.constant 0 : i32
          %add3A_220 = arith.addi %mul3A_218, %add3A_219 : i32
          %get3A = arith.index_cast %scan3A_93 : i32 to index
          %get3A_221 = arith.index_cast %add3A_220 : i32 to index
          %get3A_222 = tpu.vector_load %arg5[%get3A, %get3A_221] {strides = array<i32>} : memref<4x4096xf32, #tpu.memory_space<vmem>>, vector<16xf32>,
          %max3A_223 = arith.maximumf %scan3A_209, %get3A_222 : vector<16xf32>
          %add3A_224 = arith.constant 16 : i32
          %add3A_225 = arith.addi %mul3A_218, %add3A_224 : i32
          %get3A_226 = arith.index_cast %scan3A_93 : i32 to index
          %get3A_227 = arith.index_cast %add3A_225 : i32 to index
          %get3A_228 = tpu.vector_load %arg5[%get3A_226, %get3A_227] {strides = array<i32>} : memref<4x4096xf32, #tpu.memory_space<vmem>>, vector<16xf32>,
          %max3A_229 = arith.maximumf %scan3A_210, %get3A_228 : vector<16xf32>
          %add3A_230 = arith.constant 32 : i32
          %add3A_231 = arith.addi %mul3A_218, %add3A_230 : i32
          %get3A_232 = arith.index_cast %scan3A_93 : i32 to index
          %get3A_233 = arith.index_cast %add3A_231 : i32 to index
          %get3A_234 = tpu.vector_load %arg5[%get3A_232, %get3A_233] {strides = array<i32>} : memref<4x4096xf32, #tpu.memory_space<vmem>>, vector<16xf32>,
          %max3A_235 = arith.maximumf %scan3A_211, %get3A_234 : vector<16xf32>
          %add3A_236 = arith.constant 48 : i32
          %add3A_237 = arith.addi %mul3A_218, %add3A_236 : i32
          %get3A_238 = arith.index_cast %scan3A_93 : i32 to index
          %get3A_239 = arith.index_cast %add3A_237 : i32 to index
          %get3A_240 = tpu.vector_load %arg5[%get3A_238, %get3A_239] {strides = array<i32>} : memref<4x4096xf32, #tpu.memory_space<vmem>>, vector<16xf32>,
          %max3A_241 = arith.maximumf %scan3A_212, %get3A_240 : vector<16xf32>
          %add3A_242 = arith.constant 64 : i32
          %add3A_243 = arith.addi %mul3A_218, %add3A_242 : i32
          %get3A_244 = arith.index_cast %scan3A_93 : i32 to index
          %get3A_245 = arith.index_cast %add3A_243 : i32 to index
          %get3A_246 = tpu.vector_load %arg5[%get3A_244, %get3A_245] {strides = array<i32>} : memref<4x4096xf32, #tpu.memory_space<vmem>>, vector<16xf32>,
          %max3A_247 = arith.maximumf %scan3A_213, %get3A_246 : vector<16xf32>
          %add3A_248 = arith.constant 80 : i32
          %add3A_249 = arith.addi %mul3A_218, %add3A_248 : i32
          %get3A_250 = arith.index_cast %scan3A_93 : i32 to index
          %get3A_251 = arith.index_cast %add3A_249 : i32 to index
          %get3A_252 = tpu.vector_load %arg5[%get3A_250, %get3A_251] {strides = array<i32>} : memref<4x4096xf32, #tpu.memory_space<vmem>>, vector<16xf32>,
          %max3A_253 = arith.maximumf %scan3A_214, %get3A_252 : vector<16xf32>
          %add3A_254 = arith.constant 96 : i32
          %add3A_255 = arith.addi %mul3A_218, %add3A_254 : i32
          %get3A_256 = arith.index_cast %scan3A_93 : i32 to index
          %get3A_257 = arith.index_cast %add3A_255 : i32 to index
          %get3A_258 = tpu.vector_load %arg5[%get3A_256, %get3A_257] {strides = array<i32>} : memref<4x4096xf32, #tpu.memory_space<vmem>>, vector<16xf32>,
          %max3A_259 = arith.maximumf %scan3A_215, %get3A_258 : vector<16xf32>
          %add3A_260 = arith.constant 112 : i32
          %add3A_261 = arith.addi %mul3A_218, %add3A_260 : i32
          %get3A_262 = arith.index_cast %scan3A_93 : i32 to index
          %get3A_263 = arith.index_cast %add3A_261 : i32 to index
          %get3A_264 = tpu.vector_load %arg5[%get3A_262, %get3A_263] {strides = array<i32>} : memref<4x4096xf32, #tpu.memory_space<vmem>>, vector<16xf32>,
          %max3A_265 = arith.maximumf %scan3A_216, %get3A_264 : vector<16xf32>
          scf.yield %max3A_223, %max3A_229, %max3A_235, %max3A_241, %max3A_247, %max3A_253, %max3A_259, %max3A_265 : vector<16xf32>, vector<16xf32>, vector<16xf32>, vector<16xf32>, vector<16xf32>, vector<16xf32>, vector<16xf32>, vector<16xf32>
        }
        %scan3A_100 = arith.constant 32 : i32
        %max3A = arith.maximumf %scan3A_99#0, %scan3A_99#1 : vector<16xf32>
        %max3A_101 = arith.maximumf %max3A, %scan3A_99#2 : vector<16xf32>
        %max3A_102 = arith.maximumf %max3A_101, %scan3A_99#3 : vector<16xf32>
        %max3A_103 = arith.maximumf %max3A_102, %scan3A_99#4 : vector<16xf32>
        %max3A_104 = arith.maximumf %max3A_103, %scan3A_99#5 : vector<16xf32>
        %max3A_105 = arith.maximumf %max3A_104, %scan3A_99#6 : vector<16xf32>
        %max3A_106 = arith.maximumf %max3A_105, %scan3A_99#7 : vector<16xf32>
        %broadcast_in_dim3A_107 = arith.constant true
        %broadcast_in_dim3A_108 = vector.broadcast %broadcast_in_dim3A_107 : i1 to vector<16xi1>
        %masked_cummax3A = tpu.scan <max>, %max3A_106 masked %broadcast_in_dim3A_108 : vector<16xf32>, vector<16xi1> -> vector<16xf32>
        %rev3A = arith.constant 15 : i32
        %rev3A_109 = vector.broadcast %rev3A : i32 to vector<16xi32>
        %rev3A_110 = tpu.iota {dimensions = array<i32: 0>} : vector<16xi32>
        %rev3A_111 = arith.subi %rev3A_109, %rev3A_110 : vector<16xi32>
        %rev3A_112 = tpu.dynamic_gather %masked_cummax3A[%rev3A_111] in [0] : vector<16xf32>, vector<16xi32> -> vector<16xf32>
        %broadcast_in_dim3A_113 = arith.constant true
        %broadcast_in_dim3A_114 = vector.broadcast %broadcast_in_dim3A_113 : i1 to vector<16xi1>
        %masked_cummax3A_115 = tpu.scan <max>, %rev3A_112 masked %broadcast_in_dim3A_114 : vector<16xf32>, vector<16xi1> -> vector<16xf32>
        %sub3A = arith.constant 1.000000e+00 : f32
        %sub3A_116 = vector.broadcast %sub3A : f32 to vector<16xf32>
        %sub3A_117 = arith.subf %masked_cummax3A_115, %sub3A_116 : vector<16xf32>
        %broadcast_in_dim3A_118 = arith.constant 0 : i32
        %broadcast_in_dim3A_119 = vector.broadcast %broadcast_in_dim3A_118 : i32 to vector<16xi32>
        %scan3A_120 = arith.constant 0 : i32
        %scan3A_121 = arith.constant 32 : i32
        %scan3A_122 = arith.addi %scan3A_120, %scan3A_121 : i32
        %scan3A_123 = arith.constant 1 : i32
        %scan3A_124 = scf.for %scan3A_208 = %scan3A_120 to %scan3A_122 step %scan3A_123 iter_args(%scan3A_209 = %broadcast_in_dim3A_119) -> (vector<16xi32>)  : i32 {
          %mul3A_210 = arith.constant 128 : i32
          %mul3A_211 = arith.muli %scan3A_208, %mul3A_210 : i32
          %add3A_212 = arith.constant 0 : i32
          %add3A_213 = arith.addi %mul3A_211, %add3A_212 : i32
          %get3A = arith.index_cast %scan3A_93 : i32 to index
          %get3A_214 = arith.index_cast %add3A_213 : i32 to index
          %get3A_215 = tpu.vector_load %arg5[%get3A, %get3A_214] {strides = array<i32>} : memref<4x4096xf32, #tpu.memory_space<vmem>>, vector<16xf32>,
          %gt3A_216 = arith.cmpf ogt, %get3A_215, %sub3A_117 : vector<16xf32>
          %jit3A = arith.constant 1 : i32
          %jit3A_217 = arith.constant 0 : i32
          %broadcast_in_dim3A_218 = vector.broadcast %jit3A : i32 to vector<16xi32>
          %broadcast_in_dim3A_219 = vector.broadcast %jit3A_217 : i32 to vector<16xi32>
          %select_n3A = arith.select %gt3A_216, %broadcast_in_dim3A_218, %broadcast_in_dim3A_219 : vector<16xi1>, vector<16xi32>
          %broadcast_in_dim3A_220 = arith.constant true
          %broadcast_in_dim3A_221 = vector.broadcast %broadcast_in_dim3A_220 : i1 to vector<16xi1>
          %masked_cumsum3A_222 = tpu.scan <sum>, %select_n3A masked %broadcast_in_dim3A_221 : vector<16xi32>, vector<16xi1> -> vector<16xi32>
          %all_reduce_population_count3A = tpu.all_reduce %gt3A_216 {dim = 0 : i64, kind = #tpu.reduction_kind<sum>} : vector<16xi1> -> vector<16xi32>
          %add3A_223 = arith.constant 16 : i32
          %add3A_224 = arith.addi %mul3A_211, %add3A_223 : i32
          %get3A_225 = arith.index_cast %scan3A_93 : i32 to index
          %get3A_226 = arith.index_cast %add3A_224 : i32 to index
          %get3A_227 = tpu.vector_load %arg5[%get3A_225, %get3A_226] {strides = array<i32>} : memref<4x4096xf32, #tpu.memory_space<vmem>>, vector<16xf32>,
          %gt3A_228 = arith.cmpf ogt, %get3A_227, %sub3A_117 : vector<16xf32>
          %jit3A_229 = arith.constant 1 : i32
          %jit3A_230 = arith.constant 0 : i32
          %broadcast_in_dim3A_231 = vector.broadcast %jit3A_229 : i32 to vector<16xi32>
          %broadcast_in_dim3A_232 = vector.broadcast %jit3A_230 : i32 to vector<16xi32>
          %select_n3A_233 = arith.select %gt3A_228, %broadcast_in_dim3A_231, %broadcast_in_dim3A_232 : vector<16xi1>, vector<16xi32>
          %broadcast_in_dim3A_234 = arith.constant true
          %broadcast_in_dim3A_235 = vector.broadcast %broadcast_in_dim3A_234 : i1 to vector<16xi1>
          %masked_cumsum3A_236 = tpu.scan <sum>, %select_n3A_233 masked %broadcast_in_dim3A_235 : vector<16xi32>, vector<16xi1> -> vector<16xi32>
          %all_reduce_population_count3A_237 = tpu.all_reduce %gt3A_228 {dim = 0 : i64, kind = #tpu.reduction_kind<sum>} : vector<16xi1> -> vector<16xi32>
          %add3A_238 = arith.constant 32 : i32
          %add3A_239 = arith.addi %mul3A_211, %add3A_238 : i32
          %get3A_240 = arith.index_cast %scan3A_93 : i32 to index
          %get3A_241 = arith.index_cast %add3A_239 : i32 to index
          %get3A_242 = tpu.vector_load %arg5[%get3A_240, %get3A_241] {strides = array<i32>} : memref<4x4096xf32, #tpu.memory_space<vmem>>, vector<16xf32>,
          %gt3A_243 = arith.cmpf ogt, %get3A_242, %sub3A_117 : vector<16xf32>
          %jit3A_244 = arith.constant 1 : i32
          %jit3A_245 = arith.constant 0 : i32
          %broadcast_in_dim3A_246 = vector.broadcast %jit3A_244 : i32 to vector<16xi32>
          %broadcast_in_dim3A_247 = vector.broadcast %jit3A_245 : i32 to vector<16xi32>
          %select_n3A_248 = arith.select %gt3A_243, %broadcast_in_dim3A_246, %broadcast_in_dim3A_247 : vector<16xi1>, vector<16xi32>
          %broadcast_in_dim3A_249 = arith.constant true
          %broadcast_in_dim3A_250 = vector.broadcast %broadcast_in_dim3A_249 : i1 to vector<16xi1>
          %masked_cumsum3A_251 = tpu.scan <sum>, %select_n3A_248 masked %broadcast_in_dim3A_250 : vector<16xi32>, vector<16xi1> -> vector<16xi32>
          %all_reduce_population_count3A_252 = tpu.all_reduce %gt3A_243 {dim = 0 : i64, kind = #tpu.reduction_kind<sum>} : vector<16xi1> -> vector<16xi32>
          %add3A_253 = arith.constant 48 : i32
          %add3A_254 = arith.addi %mul3A_211, %add3A_253 : i32
          %get3A_255 = arith.index_cast %scan3A_93 : i32 to index
          %get3A_256 = arith.index_cast %add3A_254 : i32 to index
          %get3A_257 = tpu.vector_load %arg5[%get3A_255, %get3A_256] {strides = array<i32>} : memref<4x4096xf32, #tpu.memory_space<vmem>>, vector<16xf32>,
          %gt3A_258 = arith.cmpf ogt, %get3A_257, %sub3A_117 : vector<16xf32>
          %jit3A_259 = arith.constant 1 : i32
          %jit3A_260 = arith.constant 0 : i32
          %broadcast_in_dim3A_261 = vector.broadcast %jit3A_259 : i32 to vector<16xi32>
          %broadcast_in_dim3A_262 = vector.broadcast %jit3A_260 : i32 to vector<16xi32>
          %select_n3A_263 = arith.select %gt3A_258, %broadcast_in_dim3A_261, %broadcast_in_dim3A_262 : vector<16xi1>, vector<16xi32>
          %broadcast_in_dim3A_264 = arith.constant true
          %broadcast_in_dim3A_265 = vector.broadcast %broadcast_in_dim3A_264 : i1 to vector<16xi1>
          %masked_cumsum3A_266 = tpu.scan <sum>, %select_n3A_263 masked %broadcast_in_dim3A_265 : vector<16xi32>, vector<16xi1> -> vector<16xi32>
          %all_reduce_population_count3A_267 = tpu.all_reduce %gt3A_258 {dim = 0 : i64, kind = #tpu.reduction_kind<sum>} : vector<16xi1> -> vector<16xi32>
          %add3A_268 = arith.constant 64 : i32
          %add3A_269 = arith.addi %mul3A_211, %add3A_268 : i32
          %get3A_270 = arith.index_cast %scan3A_93 : i32 to index
          %get3A_271 = arith.index_cast %add3A_269 : i32 to index
          %get3A_272 = tpu.vector_load %arg5[%get3A_270, %get3A_271] {strides = array<i32>} : memref<4x4096xf32, #tpu.memory_space<vmem>>, vector<16xf32>,
          %gt3A_273 = arith.cmpf ogt, %get3A_272, %sub3A_117 : vector<16xf32>
          %jit3A_274 = arith.constant 1 : i32
          %jit3A_275 = arith.constant 0 : i32
          %broadcast_in_dim3A_276 = vector.broadcast %jit3A_274 : i32 to vector<16xi32>
          %broadcast_in_dim3A_277 = vector.broadcast %jit3A_275 : i32 to vector<16xi32>
          %select_n3A_278 = arith.select %gt3A_273, %broadcast_in_dim3A_276, %broadcast_in_dim3A_277 : vector<16xi1>, vector<16xi32>
          %broadcast_in_dim3A_279 = arith.constant true
          %broadcast_in_dim3A_280 = vector.broadcast %broadcast_in_dim3A_279 : i1 to vector<16xi1>
          %masked_cumsum3A_281 = tpu.scan <sum>, %select_n3A_278 masked %broadcast_in_dim3A_280 : vector<16xi32>, vector<16xi1> -> vector<16xi32>
          %all_reduce_population_count3A_282 = tpu.all_reduce %gt3A_273 {dim = 0 : i64, kind = #tpu.reduction_kind<sum>} : vector<16xi1> -> vector<16xi32>
          %add3A_283 = arith.constant 80 : i32
          %add3A_284 = arith.addi %mul3A_211, %add3A_283 : i32
          %get3A_285 = arith.index_cast %scan3A_93 : i32 to index
          %get3A_286 = arith.index_cast %add3A_284 : i32 to index
          %get3A_287 = tpu.vector_load %arg5[%get3A_285, %get3A_286] {strides = array<i32>} : memref<4x4096xf32, #tpu.memory_space<vmem>>, vector<16xf32>,
          %gt3A_288 = arith.cmpf ogt, %get3A_287, %sub3A_117 : vector<16xf32>
          %jit3A_289 = arith.constant 1 : i32
          %jit3A_290 = arith.constant 0 : i32
          %broadcast_in_dim3A_291 = vector.broadcast %jit3A_289 : i32 to vector<16xi32>
          %broadcast_in_dim3A_292 = vector.broadcast %jit3A_290 : i32 to vector<16xi32>
          %select_n3A_293 = arith.select %gt3A_288, %broadcast_in_dim3A_291, %broadcast_in_dim3A_292 : vector<16xi1>, vector<16xi32>
          %broadcast_in_dim3A_294 = arith.constant true
          %broadcast_in_dim3A_295 = vector.broadcast %broadcast_in_dim3A_294 : i1 to vector<16xi1>
          %masked_cumsum3A_296 = tpu.scan <sum>, %select_n3A_293 masked %broadcast_in_dim3A_295 : vector<16xi32>, vector<16xi1> -> vector<16xi32>
          %all_reduce_population_count3A_297 = tpu.all_reduce %gt3A_288 {dim = 0 : i64, kind = #tpu.reduction_kind<sum>} : vector<16xi1> -> vector<16xi32>
          %add3A_298 = arith.constant 96 : i32
          %add3A_299 = arith.addi %mul3A_211, %add3A_298 : i32
          %get3A_300 = arith.index_cast %scan3A_93 : i32 to index
          %get3A_301 = arith.index_cast %add3A_299 : i32 to index
          %get3A_302 = tpu.vector_load %arg5[%get3A_300, %get3A_301] {strides = array<i32>} : memref<4x4096xf32, #tpu.memory_space<vmem>>, vector<16xf32>,
          %gt3A_303 = arith.cmpf ogt, %get3A_302, %sub3A_117 : vector<16xf32>
          %jit3A_304 = arith.constant 1 : i32
          %jit3A_305 = arith.constant 0 : i32
          %broadcast_in_dim3A_306 = vector.broadcast %jit3A_304 : i32 to vector<16xi32>
          %broadcast_in_dim3A_307 = vector.broadcast %jit3A_305 : i32 to vector<16xi32>
          %select_n3A_308 = arith.select %gt3A_303, %broadcast_in_dim3A_306, %broadcast_in_dim3A_307 : vector<16xi1>, vector<16xi32>
          %broadcast_in_dim3A_309 = arith.constant true
          %broadcast_in_dim3A_310 = vector.broadcast %broadcast_in_dim3A_309 : i1 to vector<16xi1>
          %masked_cumsum3A_311 = tpu.scan <sum>, %select_n3A_308 masked %broadcast_in_dim3A_310 : vector<16xi32>, vector<16xi1> -> vector<16xi32>
          %all_reduce_population_count3A_312 = tpu.all_reduce %gt3A_303 {dim = 0 : i64, kind = #tpu.reduction_kind<sum>} : vector<16xi1> -> vector<16xi32>
          %add3A_313 = arith.constant 112 : i32
          %add3A_314 = arith.addi %mul3A_211, %add3A_313 : i32
          %get3A_315 = arith.index_cast %scan3A_93 : i32 to index
          %get3A_316 = arith.index_cast %add3A_314 : i32 to index
          %get3A_317 = tpu.vector_load %arg5[%get3A_315, %get3A_316] {strides = array<i32>} : memref<4x4096xf32, #tpu.memory_space<vmem>>, vector<16xf32>,
          %gt3A_318 = arith.cmpf ogt, %get3A_317, %sub3A_117 : vector<16xf32>
          %jit3A_319 = arith.constant 1 : i32
          %jit3A_320 = arith.constant 0 : i32
          %broadcast_in_dim3A_321 = vector.broadcast %jit3A_319 : i32 to vector<16xi32>
          %broadcast_in_dim3A_322 = vector.broadcast %jit3A_320 : i32 to vector<16xi32>
          %select_n3A_323 = arith.select %gt3A_318, %broadcast_in_dim3A_321, %broadcast_in_dim3A_322 : vector<16xi1>, vector<16xi32>
          %broadcast_in_dim3A_324 = arith.constant true
          %broadcast_in_dim3A_325 = vector.broadcast %broadcast_in_dim3A_324 : i1 to vector<16xi1>
          %masked_cumsum3A_326 = tpu.scan <sum>, %select_n3A_323 masked %broadcast_in_dim3A_325 : vector<16xi32>, vector<16xi1> -> vector<16xi32>
          %all_reduce_population_count3A_327 = tpu.all_reduce %gt3A_318 {dim = 0 : i64, kind = #tpu.reduction_kind<sum>} : vector<16xi1> -> vector<16xi32>
          %add3A_328 = arith.addi %scan3A_209, %masked_cumsum3A_222 : vector<16xi32>
          %sub3A_329 = arith.constant 1 : i32
          %sub3A_330 = vector.broadcast %sub3A_329 : i32 to vector<16xi32>
          %sub3A_331 = arith.subi %add3A_328, %sub3A_330 : vector<16xi32>
          tpu.vector_store_idx %arg8[%sub3A_331], %get3A_215 masked %gt3A_216 : memref<4112xf32, #tpu.memory_space<vmem>>[vector<16xi32>], vector<16xf32>, vector<16xi1>
          %add3A_332 = arith.addi %scan3A_209, %all_reduce_population_count3A : vector<16xi32>
          %add3A_333 = arith.addi %add3A_332, %masked_cumsum3A_236 : vector<16xi32>
          %sub3A_334 = arith.constant 1 : i32
          %sub3A_335 = vector.broadcast %sub3A_334 : i32 to vector<16xi32>
          %sub3A_336 = arith.subi %add3A_333, %sub3A_335 : vector<16xi32>
          tpu.vector_store_idx %arg8[%sub3A_336], %get3A_227 masked %gt3A_228 : memref<4112xf32, #tpu.memory_space<vmem>>[vector<16xi32>], vector<16xf32>, vector<16xi1>
          %add3A_337 = arith.addi %add3A_332, %all_reduce_population_count3A_237 : vector<16xi32>
          %add3A_338 = arith.addi %add3A_337, %masked_cumsum3A_251 : vector<16xi32>
          %sub3A_339 = arith.constant 1 : i32
          %sub3A_340 = vector.broadcast %sub3A_339 : i32 to vector<16xi32>
          %sub3A_341 = arith.subi %add3A_338, %sub3A_340 : vector<16xi32>
          tpu.vector_store_idx %arg8[%sub3A_341], %get3A_242 masked %gt3A_243 : memref<4112xf32, #tpu.memory_space<vmem>>[vector<16xi32>], vector<16xf32>, vector<16xi1>
          %add3A_342 = arith.addi %add3A_337, %all_reduce_population_count3A_252 : vector<16xi32>
          %add3A_343 = arith.addi %add3A_342, %masked_cumsum3A_266 : vector<16xi32>
          %sub3A_344 = arith.constant 1 : i32
          %sub3A_345 = vector.broadcast %sub3A_344 : i32 to vector<16xi32>
          %sub3A_346 = arith.subi %add3A_343, %sub3A_345 : vector<16xi32>
          tpu.vector_store_idx %arg8[%sub3A_346], %get3A_257 masked %gt3A_258 : memref<4112xf32, #tpu.memory_space<vmem>>[vector<16xi32>], vector<16xf32>, vector<16xi1>
          %add3A_347 = arith.addi %add3A_342, %all_reduce_population_count3A_267 : vector<16xi32>
          %add3A_348 = arith.addi %add3A_347, %masked_cumsum3A_281 : vector<16xi32>
          %sub3A_349 = arith.constant 1 : i32
          %sub3A_350 = vector.broadcast %sub3A_349 : i32 to vector<16xi32>
          %sub3A_351 = arith.subi %add3A_348, %sub3A_350 : vector<16xi32>
          tpu.vector_store_idx %arg8[%sub3A_351], %get3A_272 masked %gt3A_273 : memref<4112xf32, #tpu.memory_space<vmem>>[vector<16xi32>], vector<16xf32>, vector<16xi1>
          %add3A_352 = arith.addi %add3A_347, %all_reduce_population_count3A_282 : vector<16xi32>
          %add3A_353 = arith.addi %add3A_352, %masked_cumsum3A_296 : vector<16xi32>
          %sub3A_354 = arith.constant 1 : i32
          %sub3A_355 = vector.broadcast %sub3A_354 : i32 to vector<16xi32>
          %sub3A_356 = arith.subi %add3A_353, %sub3A_355 : vector<16xi32>
          tpu.vector_store_idx %arg8[%sub3A_356], %get3A_287 masked %gt3A_288 : memref<4112xf32, #tpu.memory_space<vmem>>[vector<16xi32>], vector<16xf32>, vector<16xi1>
          %add3A_357 = arith.addi %add3A_352, %all_reduce_population_count3A_297 : vector<16xi32>
          %add3A_358 = arith.addi %add3A_357, %masked_cumsum3A_311 : vector<16xi32>
          %sub3A_359 = arith.constant 1 : i32
          %sub3A_360 = vector.broadcast %sub3A_359 : i32 to vector<16xi32>
          %sub3A_361 = arith.subi %add3A_358, %sub3A_360 : vector<16xi32>
          tpu.vector_store_idx %arg8[%sub3A_361], %get3A_302 masked %gt3A_303 : memref<4112xf32, #tpu.memory_space<vmem>>[vector<16xi32>], vector<16xf32>, vector<16xi1>
          %add3A_362 = arith.addi %add3A_357, %all_reduce_population_count3A_312 : vector<16xi32>
          %add3A_363 = arith.addi %add3A_362, %masked_cumsum3A_326 : vector<16xi32>
          %sub3A_364 = arith.constant 1 : i32
          %sub3A_365 = vector.broadcast %sub3A_364 : i32 to vector<16xi32>
          %sub3A_366 = arith.subi %add3A_363, %sub3A_365 : vector<16xi32>
          tpu.vector_store_idx %arg8[%sub3A_366], %get3A_317 masked %gt3A_318 : memref<4112xf32, #tpu.memory_space<vmem>>[vector<16xi32>], vector<16xf32>, vector<16xi1>
          %add3A_367 = arith.addi %add3A_362, %all_reduce_population_count3A_327 : vector<16xi32>
          scf.yield %add3A_367 : vector<16xi32>
        }
        %scan3A_125 = arith.constant 32 : i32
        %slice3A = vector.extract_strided_slice %scan3A_124 {offsets = [0], sizes = [1], strides = [1]} : vector<16xi32> to vector<1xi32>
        %squeeze3A = vector.extract %slice3A[0] : i32 from vector<1xi32>
        %sub3A_126 = arith.constant 1.000000e+00 : f32
        %sub3A_127 = vector.broadcast %sub3A_126 : f32 to vector<16xf32>
        %sub3A_128 = arith.subf %sub3A_117, %sub3A_127 : vector<16xf32>
        %swap3A = arith.index_cast %squeeze3A : i32 to index
        %swap3A_129 = tpu.vector_load %arg8[%swap3A] {strides = array<i32>} : memref<4112xf32, #tpu.memory_space<vmem>>, vector<16xf32>,
        tpu.vector_store %arg8[%swap3A], %sub3A_128 {strides = array<i32>} : memref<4112xf32, #tpu.memory_space<vmem>>, vector<16xf32>,
        %add3A_130 = arith.constant 15 : i32
        %add3A_131 = arith.addi %squeeze3A, %add3A_130 : i32
        %shift_right_logical3A = arith.constant 4 : i32
        %shift_right_logical3A_132 = arith.shrui %add3A_131, %shift_right_logical3A : i32
        %scan3A_133 = arith.constant 0 : i32
        %scan3A_134 = arith.constant 12 : i32
        %scan3A_135 = arith.addi %scan3A_133, %scan3A_134 : i32
        %scan3A_136 = arith.constant 1 : i32
        %scan3A_137:2 = scf.for %scan3A_208 = %scan3A_133 to %scan3A_135 step %scan3A_136 iter_args(%scan3A_209 = %sub3A_117, %scan3A_210 = %masked_cummax3A_115) -> (vector<16xf32>, vector<16xf32>)  : i32 {
          %add3A_211 = arith.addf %scan3A_209, %scan3A_210 : vector<16xf32>
          %mul3A_212 = arith.constant 5.000000e-01 : f32
          %mul3A_213 = vector.broadcast %mul3A_212 : f32 to vector<16xf32>
          %mul3A_214 = arith.mulf %mul3A_213, %add3A_211 : vector<16xf32>
          %broadcast_in_dim3A_215 = arith.constant 0.000000e+00 : f32
          %broadcast_in_dim3A_216 = vector.broadcast %broadcast_in_dim3A_215 : f32 to vector<16xf32>
          %while3A_217 = arith.constant 0 : i32
          %while3A_218 = arith.subi %shift_right_logical3A_132, %while3A_217 : i32
          %while3A_219 = arith.addi %while3A_217, %while3A_218 : i32
          %while3A_220 = arith.constant 1 : i32
          %while3A_221 = arith.divsi %while3A_218, %while3A_220 : i32
          %while3A_222 = arith.muli %while3A_221, %while3A_220 : i32
          %while3A_223 = arith.addi %while3A_217, %while3A_222 : i32
          %while3A_224 = arith.constant 1 : i32
          %while3A_225 = scf.for %while3A_242 = %while3A_217 to %while3A_223 step %while3A_224 iter_args(%while3A_243 = %broadcast_in_dim3A_216) -> (vector<16xf32>)  : i32 {
            %mul3A_244 = arith.constant 16 : i32
            %mul3A_245 = arith.muli %while3A_242, %mul3A_244 : i32
            %get3A = arith.index_cast %mul3A_245 : i32 to index
            %get3A_246 = tpu.vector_load %arg8[%get3A] {strides = array<i32>} : memref<4112xf32, #tpu.memory_space<vmem>>, vector<16xf32>,
            %sub3A_247 = arith.subf %get3A_246, %mul3A_214 : vector<16xf32>
            %max3A_248 = arith.constant 0.000000e+00 : f32
            %max3A_249 = vector.broadcast %max3A_248 : f32 to vector<16xf32>
            %max3A_250 = arith.maximumf %sub3A_247, %max3A_249 : vector<16xf32>
            %add3A_251 = arith.addf %while3A_243, %max3A_250 : vector<16xf32>
            scf.yield %add3A_251 : vector<16xf32>
          }
          %while3A_226 = arith.constant 1 : i32
          %while3A_227 = scf.for %while3A_242 = %while3A_223 to %while3A_219 step %while3A_226 iter_args(%while3A_243 = %while3A_225) -> (vector<16xf32>)  : i32 {
            %mul3A_244 = arith.constant 16 : i32
            %mul3A_245 = arith.muli %while3A_242, %mul3A_244 : i32
            %get3A = arith.index_cast %mul3A_245 : i32 to index
            %get3A_246 = tpu.vector_load %arg8[%get3A] {strides = array<i32>} : memref<4112xf32, #tpu.memory_space<vmem>>, vector<16xf32>,
            %sub3A_247 = arith.subf %get3A_246, %mul3A_214 : vector<16xf32>
            %max3A_248 = arith.constant 0.000000e+00 : f32
            %max3A_249 = vector.broadcast %max3A_248 : f32 to vector<16xf32>
            %max3A_250 = arith.maximumf %sub3A_247, %max3A_249 : vector<16xf32>
            %add3A_251 = arith.addf %while3A_243, %max3A_250 : vector<16xf32>
            scf.yield %add3A_251 : vector<16xf32>
          }
          %broadcast_in_dim3A_228 = arith.constant true
          %broadcast_in_dim3A_229 = vector.broadcast %broadcast_in_dim3A_228 : i1 to vector<16xi1>
          %masked_cumsum3A_230 = tpu.scan <sum>, %while3A_227 masked %broadcast_in_dim3A_229 : vector<16xf32>, vector<16xi1> -> vector<16xf32>
          %rev3A_231 = arith.constant 15 : i32
          %rev3A_232 = vector.broadcast %rev3A_231 : i32 to vector<16xi32>
          %rev3A_233 = tpu.iota {dimensions = array<i32: 0>} : vector<16xi32>
          %rev3A_234 = arith.subi %rev3A_232, %rev3A_233 : vector<16xi32>
          %rev3A_235 = tpu.dynamic_gather %masked_cumsum3A_230[%rev3A_234] in [0] : vector<16xf32>, vector<16xi32> -> vector<16xf32>
          %broadcast_in_dim3A_236 = arith.constant true
          %broadcast_in_dim3A_237 = vector.broadcast %broadcast_in_dim3A_236 : i1 to vector<16xi1>
          %masked_cummax3A_238 = tpu.scan <max>, %rev3A_235 masked %broadcast_in_dim3A_237 : vector<16xf32>, vector<16xi1> -> vector<16xf32>
          %ge3A = arith.constant 1.000000e+00 : f32
          %ge3A_239 = vector.broadcast %ge3A : f32 to vector<16xf32>
          %ge3A_240 = arith.cmpf oge, %masked_cummax3A_238, %ge3A_239 : vector<16xf32>
          %select_n3A = arith.select %ge3A_240, %mul3A_214, %scan3A_209 : vector<16xi1>, vector<16xf32>
          %select_n3A_241 = arith.select %ge3A_240, %scan3A_210, %mul3A_214 : vector<16xi1>, vector<16xf32>
          scf.yield %select_n3A, %select_n3A_241 : vector<16xf32>, vector<16xf32>
        }
        %scan3A_138 = arith.constant 12 : i32
        %broadcast_in_dim3A_139 = arith.constant 0.000000e+00 : f32
        %broadcast_in_dim3A_140 = vector.broadcast %broadcast_in_dim3A_139 : f32 to vector<16xf32>
        %broadcast_in_dim3A_141 = arith.constant 0.000000e+00 : f32
        %broadcast_in_dim3A_142 = vector.broadcast %broadcast_in_dim3A_141 : f32 to vector<16xf32>
        %while3A = arith.constant 0 : i32
        %while3A_143 = arith.subi %shift_right_logical3A_132, %while3A : i32
        %while3A_144 = arith.addi %while3A, %while3A_143 : i32
        %while3A_145 = arith.constant 1 : i32
        %while3A_146 = arith.divsi %while3A_143, %while3A_145 : i32
        %while3A_147 = arith.muli %while3A_146, %while3A_145 : i32
        %while3A_148 = arith.addi %while3A, %while3A_147 : i32
        %while3A_149 = arith.constant 1 : i32
        %while3A_150:2 = scf.for %while3A_208 = %while3A to %while3A_148 step %while3A_149 iter_args(%while3A_209 = %broadcast_in_dim3A_140, %while3A_210 = %broadcast_in_dim3A_142) -> (vector<16xf32>, vector<16xf32>)  : i32 {
          %mul3A_211 = arith.constant 16 : i32
          %mul3A_212 = arith.muli %while3A_208, %mul3A_211 : i32
          %get3A = arith.index_cast %mul3A_212 : i32 to index
          %get3A_213 = tpu.vector_load %arg8[%get3A] {strides = array<i32>} : memref<4112xf32, #tpu.memory_space<vmem>>, vector<16xf32>,
          %gt3A_214 = arith.cmpf ogt, %get3A_213, %scan3A_137#0 : vector<16xf32>
          %sub3A_215 = arith.subf %get3A_213, %sub3A_117 : vector<16xf32>
          %jit3A = arith.constant 0.000000e+00 : f32
          %broadcast_in_dim3A_216 = vector.broadcast %jit3A : f32 to vector<16xf32>
          %select_n3A = arith.select %gt3A_214, %sub3A_215, %broadcast_in_dim3A_216 : vector<16xi1>, vector<16xf32>
          %add3A_217 = arith.addf %while3A_209, %select_n3A : vector<16xf32>
          %jit3A_218 = arith.constant 1.000000e+00 : f32
          %jit3A_219 = arith.constant 0.000000e+00 : f32
          %broadcast_in_dim3A_220 = vector.broadcast %jit3A_218 : f32 to vector<16xf32>
          %broadcast_in_dim3A_221 = vector.broadcast %jit3A_219 : f32 to vector<16xf32>
          %select_n3A_222 = arith.select %gt3A_214, %broadcast_in_dim3A_220, %broadcast_in_dim3A_221 : vector<16xi1>, vector<16xf32>
          %add3A_223 = arith.addf %while3A_210, %select_n3A_222 : vector<16xf32>
          scf.yield %add3A_217, %add3A_223 : vector<16xf32>, vector<16xf32>
        }
        %while3A_151 = arith.constant 1 : i32
        %while3A_152:2 = scf.for %while3A_208 = %while3A_148 to %while3A_144 step %while3A_151 iter_args(%while3A_209 = %while3A_150#0, %while3A_210 = %while3A_150#1) -> (vector<16xf32>, vector<16xf32>)  : i32 {
          %mul3A_211 = arith.constant 16 : i32
          %mul3A_212 = arith.muli %while3A_208, %mul3A_211 : i32
          %get3A = arith.index_cast %mul3A_212 : i32 to index
          %get3A_213 = tpu.vector_load %arg8[%get3A] {strides = array<i32>} : memref<4112xf32, #tpu.memory_space<vmem>>, vector<16xf32>,
          %gt3A_214 = arith.cmpf ogt, %get3A_213, %scan3A_137#0 : vector<16xf32>
          %sub3A_215 = arith.subf %get3A_213, %sub3A_117 : vector<16xf32>
          %jit3A = arith.constant 0.000000e+00 : f32
          %broadcast_in_dim3A_216 = vector.broadcast %jit3A : f32 to vector<16xf32>
          %select_n3A = arith.select %gt3A_214, %sub3A_215, %broadcast_in_dim3A_216 : vector<16xi1>, vector<16xf32>
          %add3A_217 = arith.addf %while3A_209, %select_n3A : vector<16xf32>
          %jit3A_218 = arith.constant 1.000000e+00 : f32
          %jit3A_219 = arith.constant 0.000000e+00 : f32
          %broadcast_in_dim3A_220 = vector.broadcast %jit3A_218 : f32 to vector<16xf32>
          %broadcast_in_dim3A_221 = vector.broadcast %jit3A_219 : f32 to vector<16xf32>
          %select_n3A_222 = arith.select %gt3A_214, %broadcast_in_dim3A_220, %broadcast_in_dim3A_221 : vector<16xi1>, vector<16xf32>
          %add3A_223 = arith.addf %while3A_210, %select_n3A_222 : vector<16xf32>
          scf.yield %add3A_217, %add3A_223 : vector<16xf32>, vector<16xf32>
        }
        %broadcast_in_dim3A_153 = arith.constant true
        %broadcast_in_dim3A_154 = vector.broadcast %broadcast_in_dim3A_153 : i1 to vector<16xi1>
        %masked_cumsum3A = tpu.scan <sum>, %while3A_152#1 masked %broadcast_in_dim3A_154 : vector<16xf32>, vector<16xi1> -> vector<16xf32>
        %rev3A_155 = arith.constant 15 : i32
        %rev3A_156 = vector.broadcast %rev3A_155 : i32 to vector<16xi32>
        %rev3A_157 = tpu.iota {dimensions = array<i32: 0>} : vector<16xi32>
        %rev3A_158 = arith.subi %rev3A_156, %rev3A_157 : vector<16xi32>
        %rev3A_159 = tpu.dynamic_gather %masked_cumsum3A[%rev3A_158] in [0] : vector<16xf32>, vector<16xi32> -> vector<16xf32>
        %broadcast_in_dim3A_160 = arith.constant true
        %broadcast_in_dim3A_161 = vector.broadcast %broadcast_in_dim3A_160 : i1 to vector<16xi1>
        %masked_cummax3A_162 = tpu.scan <max>, %rev3A_159 masked %broadcast_in_dim3A_161 : vector<16xf32>, vector<16xi1> -> vector<16xf32>
        %max3A_163 = arith.constant 1.000000e+00 : f32
        %max3A_164 = vector.broadcast %max3A_163 : f32 to vector<16xf32>
        %max3A_165 = arith.maximumf %masked_cummax3A_162, %max3A_164 : vector<16xf32>
        %broadcast_in_dim3A_166 = arith.constant true
        %broadcast_in_dim3A_167 = vector.broadcast %broadcast_in_dim3A_166 : i1 to vector<16xi1>
        %masked_cumsum3A_168 = tpu.scan <sum>, %while3A_152#0 masked %broadcast_in_dim3A_167 : vector<16xf32>, vector<16xi1> -> vector<16xf32>
        %rev3A_169 = arith.constant 15 : i32
        %rev3A_170 = vector.broadcast %rev3A_169 : i32 to vector<16xi32>
        %rev3A_171 = tpu.iota {dimensions = array<i32: 0>} : vector<16xi32>
        %rev3A_172 = arith.subi %rev3A_170, %rev3A_171 : vector<16xi32>
        %rev3A_173 = tpu.dynamic_gather %masked_cumsum3A_168[%rev3A_172] in [0] : vector<16xf32>, vector<16xi32> -> vector<16xf32>
        %broadcast_in_dim3A_174 = arith.constant true
        %broadcast_in_dim3A_175 = vector.broadcast %broadcast_in_dim3A_174 : i1 to vector<16xi1>
        %masked_cummax3A_176 = tpu.scan <max>, %rev3A_173 masked %broadcast_in_dim3A_175 : vector<16xf32>, vector<16xi1> -> vector<16xf32>
        %mul3A_177 = arith.mulf %max3A_165, %sub3A_117 : vector<16xf32>
        %add3A_178 = arith.addf %masked_cummax3A_176, %mul3A_177 : vector<16xf32>
        %sub3A_179 = arith.constant 1.000000e+00 : f32
        %sub3A_180 = vector.broadcast %sub3A_179 : f32 to vector<16xf32>
        %sub3A_181 = arith.subf %add3A_178, %sub3A_180 : vector<16xf32>
        %bitcast3A = vector.bitcast %max3A_165 : vector<16xf32> to vector<16xi32>
        %broadcast_in_dim3A_182 = arith.constant 2129859011 : i32
        %broadcast_in_dim3A_183 = vector.broadcast %broadcast_in_dim3A_182 : i32 to vector<16xi32>
        %sub3A_184 = arith.subi %broadcast_in_dim3A_183, %bitcast3A : vector<16xi32>
        %bitcast3A_185 = vector.bitcast %sub3A_184 : vector<16xi32> to vector<16xf32>
        %mul3A_186 = arith.mulf %max3A_165, %bitcast3A_185 : vector<16xf32>
        %sub3A_187 = arith.constant 2.000000e+00 : f32
        %sub3A_188 = vector.broadcast %sub3A_187 : f32 to vector<16xf32>
        %sub3A_189 = arith.subf %sub3A_188, %mul3A_186 : vector<16xf32>
        %mul3A_190 = arith.mulf %bitcast3A_185, %sub3A_189 : vector<16xf32>
        %mul3A_191 = arith.mulf %max3A_165, %mul3A_190 : vector<16xf32>
        %sub3A_192 = arith.constant 2.000000e+00 : f32
        %sub3A_193 = vector.broadcast %sub3A_192 : f32 to vector<16xf32>
        %sub3A_194 = arith.subf %sub3A_193, %mul3A_191 : vector<16xf32>
        %mul3A_195 = arith.mulf %mul3A_190, %sub3A_194 : vector<16xf32>
        %mul3A_196 = arith.mulf %max3A_165, %mul3A_195 : vector<16xf32>
        %sub3A_197 = arith.constant 2.000000e+00 : f32
        %sub3A_198 = vector.broadcast %sub3A_197 : f32 to vector<16xf32>
        %sub3A_199 = arith.subf %sub3A_198, %mul3A_196 : vector<16xf32>
        %mul3A_200 = arith.mulf %mul3A_195, %sub3A_199 : vector<16xf32>
        %mul3A_201 = arith.mulf %sub3A_181, %mul3A_200 : vector<16xf32>
        %scan3A_202 = arith.constant 0 : i32
        %scan3A_203 = arith.constant 0 : i32
        %scan3A_204 = arith.constant 32 : i32
        %scan3A_205 = arith.addi %scan3A_203, %scan3A_204 : i32
        %scan3A_206 = arith.constant 1 : i32
        scf.for %scan3A_208 = %scan3A_203 to %scan3A_205 step %scan3A_206  : i32 {
          %mul3A_209 = arith.constant 128 : i32
          %mul3A_210 = arith.muli %scan3A_208, %mul3A_209 : i32
          %add3A_211 = arith.constant 0 : i32
          %add3A_212 = arith.addi %mul3A_210, %add3A_211 : i32
          %get3A = arith.index_cast %scan3A_93 : i32 to index
          %get3A_213 = arith.index_cast %add3A_212 : i32 to index
          %get3A_214 = tpu.vector_load %arg5[%get3A, %get3A_213] {strides = array<i32>} : memref<4x4096xf32, #tpu.memory_space<vmem>>, vector<16xf32>,
          %sub3A_215 = arith.subf %get3A_214, %mul3A_201 : vector<16xf32>
          %max3A_216 = arith.constant 0.000000e+00 : f32
          %max3A_217 = vector.broadcast %max3A_216 : f32 to vector<16xf32>
          %max3A_218 = arith.maximumf %sub3A_215, %max3A_217 : vector<16xf32>
          %add3A_219 = arith.constant 0 : i32
          %add3A_220 = arith.addi %mul3A_210, %add3A_219 : i32
          %swap3A_221 = arith.index_cast %scan3A_93 : i32 to index
          %swap3A_222 = arith.index_cast %add3A_220 : i32 to index
          %swap3A_223 = tpu.vector_load %arg7[%swap3A_221, %swap3A_222] {strides = array<i32>} : memref<4x4096xf32, #tpu.memory_space<vmem>>, vector<16xf32>,
          tpu.vector_store %arg7[%swap3A_221, %swap3A_222], %max3A_218 {strides = array<i32>} : memref<4x4096xf32, #tpu.memory_space<vmem>>, vector<16xf32>,
          %add3A_224 = arith.constant 16 : i32
          %add3A_225 = arith.addi %mul3A_210, %add3A_224 : i32
          %get3A_226 = arith.index_cast %scan3A_93 : i32 to index
          %get3A_227 = arith.index_cast %add3A_225 : i32 to index
          %get3A_228 = tpu.vector_load %arg5[%get3A_226, %get3A_227] {strides = array<i32>} : memref<4x4096xf32, #tpu.memory_space<vmem>>, vector<16xf32>,
          %sub3A_229 = arith.subf %get3A_228, %mul3A_201 : vector<16xf32>
          %max3A_230 = arith.constant 0.000000e+00 : f32
          %max3A_231 = vector.broadcast %max3A_230 : f32 to vector<16xf32>
          %max3A_232 = arith.maximumf %sub3A_229, %max3A_231 : vector<16xf32>
          %add3A_233 = arith.constant 16 : i32
          %add3A_234 = arith.addi %mul3A_210, %add3A_233 : i32
          %swap3A_235 = arith.index_cast %scan3A_93 : i32 to index
          %swap3A_236 = arith.index_cast %add3A_234 : i32 to index
          %swap3A_237 = tpu.vector_load %arg7[%swap3A_235, %swap3A_236] {strides = array<i32>} : memref<4x4096xf32, #tpu.memory_space<vmem>>, vector<16xf32>,
          tpu.vector_store %arg7[%swap3A_235, %swap3A_236], %max3A_232 {strides = array<i32>} : memref<4x4096xf32, #tpu.memory_space<vmem>>, vector<16xf32>,
          %add3A_238 = arith.constant 32 : i32
          %add3A_239 = arith.addi %mul3A_210, %add3A_238 : i32
          %get3A_240 = arith.index_cast %scan3A_93 : i32 to index
          %get3A_241 = arith.index_cast %add3A_239 : i32 to index
          %get3A_242 = tpu.vector_load %arg5[%get3A_240, %get3A_241] {strides = array<i32>} : memref<4x4096xf32, #tpu.memory_space<vmem>>, vector<16xf32>,
          %sub3A_243 = arith.subf %get3A_242, %mul3A_201 : vector<16xf32>
          %max3A_244 = arith.constant 0.000000e+00 : f32
          %max3A_245 = vector.broadcast %max3A_244 : f32 to vector<16xf32>
          %max3A_246 = arith.maximumf %sub3A_243, %max3A_245 : vector<16xf32>
          %add3A_247 = arith.constant 32 : i32
          %add3A_248 = arith.addi %mul3A_210, %add3A_247 : i32
          %swap3A_249 = arith.index_cast %scan3A_93 : i32 to index
          %swap3A_250 = arith.index_cast %add3A_248 : i32 to index
          %swap3A_251 = tpu.vector_load %arg7[%swap3A_249, %swap3A_250] {strides = array<i32>} : memref<4x4096xf32, #tpu.memory_space<vmem>>, vector<16xf32>,
          tpu.vector_store %arg7[%swap3A_249, %swap3A_250], %max3A_246 {strides = array<i32>} : memref<4x4096xf32, #tpu.memory_space<vmem>>, vector<16xf32>,
          %add3A_252 = arith.constant 48 : i32
          %add3A_253 = arith.addi %mul3A_210, %add3A_252 : i32
          %get3A_254 = arith.index_cast %scan3A_93 : i32 to index
          %get3A_255 = arith.index_cast %add3A_253 : i32 to index
          %get3A_256 = tpu.vector_load %arg5[%get3A_254, %get3A_255] {strides = array<i32>} : memref<4x4096xf32, #tpu.memory_space<vmem>>, vector<16xf32>,
          %sub3A_257 = arith.subf %get3A_256, %mul3A_201 : vector<16xf32>
          %max3A_258 = arith.constant 0.000000e+00 : f32
          %max3A_259 = vector.broadcast %max3A_258 : f32 to vector<16xf32>
          %max3A_260 = arith.maximumf %sub3A_257, %max3A_259 : vector<16xf32>
          %add3A_261 = arith.constant 48 : i32
          %add3A_262 = arith.addi %mul3A_210, %add3A_261 : i32
          %swap3A_263 = arith.index_cast %scan3A_93 : i32 to index
          %swap3A_264 = arith.index_cast %add3A_262 : i32 to index
          %swap3A_265 = tpu.vector_load %arg7[%swap3A_263, %swap3A_264] {strides = array<i32>} : memref<4x4096xf32, #tpu.memory_space<vmem>>, vector<16xf32>,
          tpu.vector_store %arg7[%swap3A_263, %swap3A_264], %max3A_260 {strides = array<i32>} : memref<4x4096xf32, #tpu.memory_space<vmem>>, vector<16xf32>,
          %add3A_266 = arith.constant 64 : i32
          %add3A_267 = arith.addi %mul3A_210, %add3A_266 : i32
          %get3A_268 = arith.index_cast %scan3A_93 : i32 to index
          %get3A_269 = arith.index_cast %add3A_267 : i32 to index
          %get3A_270 = tpu.vector_load %arg5[%get3A_268, %get3A_269] {strides = array<i32>} : memref<4x4096xf32, #tpu.memory_space<vmem>>, vector<16xf32>,
          %sub3A_271 = arith.subf %get3A_270, %mul3A_201 : vector<16xf32>
          %max3A_272 = arith.constant 0.000000e+00 : f32
          %max3A_273 = vector.broadcast %max3A_272 : f32 to vector<16xf32>
          %max3A_274 = arith.maximumf %sub3A_271, %max3A_273 : vector<16xf32>
          %add3A_275 = arith.constant 64 : i32
          %add3A_276 = arith.addi %mul3A_210, %add3A_275 : i32
          %swap3A_277 = arith.index_cast %scan3A_93 : i32 to index
          %swap3A_278 = arith.index_cast %add3A_276 : i32 to index
          %swap3A_279 = tpu.vector_load %arg7[%swap3A_277, %swap3A_278] {strides = array<i32>} : memref<4x4096xf32, #tpu.memory_space<vmem>>, vector<16xf32>,
          tpu.vector_store %arg7[%swap3A_277, %swap3A_278], %max3A_274 {strides = array<i32>} : memref<4x4096xf32, #tpu.memory_space<vmem>>, vector<16xf32>,
          %add3A_280 = arith.constant 80 : i32
          %add3A_281 = arith.addi %mul3A_210, %add3A_280 : i32
          %get3A_282 = arith.index_cast %scan3A_93 : i32 to index
          %get3A_283 = arith.index_cast %add3A_281 : i32 to index
          %get3A_284 = tpu.vector_load %arg5[%get3A_282, %get3A_283] {strides = array<i32>} : memref<4x4096xf32, #tpu.memory_space<vmem>>, vector<16xf32>,
          %sub3A_285 = arith.subf %get3A_284, %mul3A_201 : vector<16xf32>
          %max3A_286 = arith.constant 0.000000e+00 : f32
          %max3A_287 = vector.broadcast %max3A_286 : f32 to vector<16xf32>
          %max3A_288 = arith.maximumf %sub3A_285, %max3A_287 : vector<16xf32>
          %add3A_289 = arith.constant 80 : i32
          %add3A_290 = arith.addi %mul3A_210, %add3A_289 : i32
          %swap3A_291 = arith.index_cast %scan3A_93 : i32 to index
          %swap3A_292 = arith.index_cast %add3A_290 : i32 to index
          %swap3A_293 = tpu.vector_load %arg7[%swap3A_291, %swap3A_292] {strides = array<i32>} : memref<4x4096xf32, #tpu.memory_space<vmem>>, vector<16xf32>,
          tpu.vector_store %arg7[%swap3A_291, %swap3A_292], %max3A_288 {strides = array<i32>} : memref<4x4096xf32, #tpu.memory_space<vmem>>, vector<16xf32>,
          %add3A_294 = arith.constant 96 : i32
          %add3A_295 = arith.addi %mul3A_210, %add3A_294 : i32
          %get3A_296 = arith.index_cast %scan3A_93 : i32 to index
          %get3A_297 = arith.index_cast %add3A_295 : i32 to index
          %get3A_298 = tpu.vector_load %arg5[%get3A_296, %get3A_297] {strides = array<i32>} : memref<4x4096xf32, #tpu.memory_space<vmem>>, vector<16xf32>,
          %sub3A_299 = arith.subf %get3A_298, %mul3A_201 : vector<16xf32>
          %max3A_300 = arith.constant 0.000000e+00 : f32
          %max3A_301 = vector.broadcast %max3A_300 : f32 to vector<16xf32>
          %max3A_302 = arith.maximumf %sub3A_299, %max3A_301 : vector<16xf32>
          %add3A_303 = arith.constant 96 : i32
          %add3A_304 = arith.addi %mul3A_210, %add3A_303 : i32
          %swap3A_305 = arith.index_cast %scan3A_93 : i32 to index
          %swap3A_306 = arith.index_cast %add3A_304 : i32 to index
          %swap3A_307 = tpu.vector_load %arg7[%swap3A_305, %swap3A_306] {strides = array<i32>} : memref<4x4096xf32, #tpu.memory_space<vmem>>, vector<16xf32>,
          tpu.vector_store %arg7[%swap3A_305, %swap3A_306], %max3A_302 {strides = array<i32>} : memref<4x4096xf32, #tpu.memory_space<vmem>>, vector<16xf32>,
          %add3A_308 = arith.constant 112 : i32
          %add3A_309 = arith.addi %mul3A_210, %add3A_308 : i32
          %get3A_310 = arith.index_cast %scan3A_93 : i32 to index
          %get3A_311 = arith.index_cast %add3A_309 : i32 to index
          %get3A_312 = tpu.vector_load %arg5[%get3A_310, %get3A_311] {strides = array<i32>} : memref<4x4096xf32, #tpu.memory_space<vmem>>, vector<16xf32>,
          %sub3A_313 = arith.subf %get3A_312, %mul3A_201 : vector<16xf32>
          %max3A_314 = arith.constant 0.000000e+00 : f32
          %max3A_315 = vector.broadcast %max3A_314 : f32 to vector<16xf32>
          %max3A_316 = arith.maximumf %sub3A_313, %max3A_315 : vector<16xf32>
          %add3A_317 = arith.constant 112 : i32
          %add3A_318 = arith.addi %mul3A_210, %add3A_317 : i32
          %swap3A_319 = arith.index_cast %scan3A_93 : i32 to index
          %swap3A_320 = arith.index_cast %add3A_318 : i32 to index
          %swap3A_321 = tpu.vector_load %arg7[%swap3A_319, %swap3A_320] {strides = array<i32>} : memref<4x4096xf32, #tpu.memory_space<vmem>>, vector<16xf32>,
          tpu.vector_store %arg7[%swap3A_319, %swap3A_320], %max3A_316 {strides = array<i32>} : memref<4x4096xf32, #tpu.memory_space<vmem>>, vector<16xf32>,
        }
        %scan3A_207 = arith.constant 32 : i32
      }
      %scan3A_81 = arith.constant 4 : i32
      %dma_start3A_82 = arith.constant 0 : i32
      %dma_start3A_83 = tpu.memref_slice %arg3[%add3A_66, %dma_start3A_82] : memref<2816x4096xf32, #tpu.memory_space<hbm>> -> memref<4x4096xf32, #tpu.memory_space<hbm>>
      %dma_start3A_84 = arith.constant 0 : i32
      %dma_start3A_85 = tpu.memref_slice %arg3[%add3A_66, %dma_start3A_84] : memref<2816x4096xf32, #tpu.memory_space<hbm>> -> memref<4x4096xf32, #tpu.memory_space<hbm>>
      tpu.enqueue_dma source(%arg7 : memref<4x4096xf32, #tpu.memory_space<vmem>>) target(%dma_start3A_85 : memref<4x4096xf32, #tpu.memory_space<hbm>>) target_semaphore(%arg12 : memref<!tpu.dma_semaphore, #tpu.memory_space<semaphore_mem>>)
      %add3A_86 = arith.constant 2 : i32
      %add3A_87 = arith.addi %add3A_63, %add3A_86 : i32
      %lt3A_88 = arith.constant 22 : i32
      %lt3A_89 = arith.cmpi slt, %add3A_87, %lt3A_88 : i32
      %convert_element_type3A_90 = arith.extui %lt3A_89 : i1 to i32
      %cond3A_91 = arith.constant 0 : i32
      %cond3A_92 = arith.cmpi ne, %convert_element_type3A_90, %cond3A_91 : i32
      scf.if %cond3A_92 {
        %add3A_93 = arith.constant 8 : i32
        %add3A_94 = arith.addi %add3A_66, %add3A_93 : i32
        %dma_start3A_95 = arith.constant 0 : i32
        %dma_start3A_96 = tpu.memref_slice %arg2[%add3A_94, %dma_start3A_95] : memref<8192x4096xf32, #tpu.memory_space<hbm>> -> memref<4x4096xf32, #tpu.memory_space<hbm>>
        %dma_start3A_97 = arith.constant 0 : i32
        %dma_start3A_98 = tpu.memref_slice %arg2[%add3A_94, %dma_start3A_97] : memref<8192x4096xf32, #tpu.memory_space<hbm>> -> memref<4x4096xf32, #tpu.memory_space<hbm>>
        tpu.enqueue_dma source(%dma_start3A_98 : memref<4x4096xf32, #tpu.memory_space<hbm>>) target(%arg5 : memref<4x4096xf32, #tpu.memory_space<vmem>>) target_semaphore(%arg10 : memref<!tpu.dma_semaphore, #tpu.memory_space<semaphore_mem>>)
      } else {
      }
    }
    %scan3A_18 = arith.constant 11 : i32
    %add3A_19 = arith.constant 80 : i32
    %add3A_20 = arith.addi %mul3A_2, %add3A_19 : i32
    %dma_wait3A = arith.constant 0 : i32
    %dma_wait3A_21 = tpu.memref_slice %arg3[%add3A_20, %dma_wait3A] : memref<2816x4096xf32, #tpu.memory_space<hbm>> -> memref<4x4096xf32, #tpu.memory_space<hbm>>
    %dma_wait3A_22 = arith.constant 0 : i32
    %dma_wait3A_23 = tpu.memref_slice %arg3[%add3A_20, %dma_wait3A_22] : memref<2816x4096xf32, #tpu.memory_space<hbm>> -> memref<4x4096xf32, #tpu.memory_space<hbm>>
    tpu.wait_dma2 semaphore(%arg11 : memref<!tpu.dma_semaphore, #tpu.memory_space<semaphore_mem>>) src(%arg6 : memref<4x4096xf32, #tpu.memory_space<vmem>>) dst(%dma_wait3A_23 : memref<4x4096xf32, #tpu.memory_space<hbm>>)
    %add3A_24 = arith.constant 84 : i32
    %add3A_25 = arith.addi %mul3A_2, %add3A_24 : i32
    %dma_wait3A_26 = arith.constant 0 : i32
    %dma_wait3A_27 = tpu.memref_slice %arg3[%add3A_25, %dma_wait3A_26] : memref<2816x4096xf32, #tpu.memory_space<hbm>> -> memref<4x4096xf32, #tpu.memory_space<hbm>>
    %dma_wait3A_28 = arith.constant 0 : i32
    %dma_wait3A_29 = tpu.memref_slice %arg3[%add3A_25, %dma_wait3A_28] : memref<2816x4096xf32, #tpu.memory_space<hbm>> -> memref<4x4096xf32, #tpu.memory_space<hbm>>
    tpu.wait_dma2 semaphore(%arg12 : memref<!tpu.dma_semaphore, #tpu.memory_space<semaphore_mem>>) src(%arg7 : memref<4x4096xf32, #tpu.memory_space<vmem>>) dst(%dma_wait3A_29 : memref<4x4096xf32, #tpu.memory_space<hbm>>)
    return
  }
}

module attributes {stable_mosaic.version = 14 : i64} {
  func.func @_tc_body(%arg0: i32, %arg1: memref<128x4096xf32, #tpu.memory_space<vmem>>, %arg2: memref<128x4096xf32, #tpu.memory_space<vmem>>) attributes {dimension_semantics = [#tpu.dimension_semantics<arbitrary>], iteration_bounds = array<i64: 42>, scalar_prefetch = 0 : i64, scratch_operands = 0 : i64, tpu.core_type = #tpu.core_type<tc>, window_params = [{transform_indices = @transform_0, window_bounds = array<i64: 128, 4096>}, {transform_indices = @transform_1, window_bounds = array<i64: 128, 4096>}]} {
    %get3A = arith.constant 0 : index
    %get3A_0 = arith.constant 0 : index
    %get3A_1 = vector.load %arg1[%get3A, %get3A_0] : memref<128x4096xf32, #tpu.memory_space<vmem>>, vector<128x4096xf32>
    %reduce_max3A = arith.constant dense<0xFF800000> : vector<128xf32>
    %reduce_max3A_2 = vector.multi_reduction <maximumf>, %get3A_1, %reduce_max3A [1] : vector<128x4096xf32> to vector<128xf32>
    %broadcast_in_dim3A = vector.shape_cast %reduce_max3A_2 : vector<128xf32> to vector<128x1xf32>
    %sub3A = arith.constant 1.000000e+00 : f32
    %sub3A_3 = vector.broadcast %sub3A : f32 to vector<128x1xf32>
    %sub3A_4 = arith.subf %broadcast_in_dim3A, %sub3A_3 : vector<128x1xf32>
    %add3A = arith.addf %sub3A_4, %broadcast_in_dim3A : vector<128x1xf32>
    %mul3A = arith.constant 5.000000e-01 : f32
    %mul3A_5 = vector.broadcast %mul3A : f32 to vector<128x1xf32>
    %mul3A_6 = arith.mulf %mul3A_5, %add3A : vector<128x1xf32>
    %sub3A_7 = vector.broadcast %mul3A_6 : vector<128x1xf32> to vector<128x4096xf32>
    %sub3A_8 = arith.subf %get3A_1, %sub3A_7 : vector<128x4096xf32>
    %max3A = arith.constant 0.000000e+00 : f32
    %max3A_9 = vector.broadcast %max3A : f32 to vector<128x4096xf32>
    %max3A_10 = arith.maximumf %sub3A_8, %max3A_9 : vector<128x4096xf32>
    %reduce_sum3A = arith.constant dense<0.000000e+00> : vector<128xf32>
    %reduce_sum3A_11 = vector.multi_reduction <add>, %max3A_10, %reduce_sum3A [1] : vector<128x4096xf32> to vector<128xf32>
    %broadcast_in_dim3A_12 = vector.shape_cast %reduce_sum3A_11 : vector<128xf32> to vector<128x1xf32>
    %ge3A = arith.constant 1.000000e+00 : f32
    %ge3A_13 = vector.broadcast %ge3A : f32 to vector<128x1xf32>
    %ge3A_14 = arith.cmpf oge, %broadcast_in_dim3A_12, %ge3A_13 : vector<128x1xf32>
    %select_n3A = arith.select %ge3A_14, %mul3A_6, %sub3A_4 : vector<128x1xi1>, vector<128x1xf32>
    %select_n3A_15 = arith.select %ge3A_14, %broadcast_in_dim3A, %mul3A_6 : vector<128x1xi1>, vector<128x1xf32>
    %add3A_16 = arith.addf %select_n3A, %select_n3A_15 : vector<128x1xf32>
    %mul3A_17 = arith.constant 5.000000e-01 : f32
    %mul3A_18 = vector.broadcast %mul3A_17 : f32 to vector<128x1xf32>
    %mul3A_19 = arith.mulf %mul3A_18, %add3A_16 : vector<128x1xf32>
    %sub3A_20 = vector.broadcast %mul3A_19 : vector<128x1xf32> to vector<128x4096xf32>
    %sub3A_21 = arith.subf %get3A_1, %sub3A_20 : vector<128x4096xf32>
    %max3A_22 = arith.constant 0.000000e+00 : f32
    %max3A_23 = vector.broadcast %max3A_22 : f32 to vector<128x4096xf32>
    %max3A_24 = arith.maximumf %sub3A_21, %max3A_23 : vector<128x4096xf32>
    %reduce_sum3A_25 = arith.constant dense<0.000000e+00> : vector<128xf32>
    %reduce_sum3A_26 = vector.multi_reduction <add>, %max3A_24, %reduce_sum3A_25 [1] : vector<128x4096xf32> to vector<128xf32>
    %broadcast_in_dim3A_27 = vector.shape_cast %reduce_sum3A_26 : vector<128xf32> to vector<128x1xf32>
    %ge3A_28 = arith.constant 1.000000e+00 : f32
    %ge3A_29 = vector.broadcast %ge3A_28 : f32 to vector<128x1xf32>
    %ge3A_30 = arith.cmpf oge, %broadcast_in_dim3A_27, %ge3A_29 : vector<128x1xf32>
    %select_n3A_31 = arith.select %ge3A_30, %mul3A_19, %select_n3A : vector<128x1xi1>, vector<128x1xf32>
    %select_n3A_32 = arith.select %ge3A_30, %select_n3A_15, %mul3A_19 : vector<128x1xi1>, vector<128x1xf32>
    %add3A_33 = arith.addf %select_n3A_31, %select_n3A_32 : vector<128x1xf32>
    %mul3A_34 = arith.constant 5.000000e-01 : f32
    %mul3A_35 = vector.broadcast %mul3A_34 : f32 to vector<128x1xf32>
    %mul3A_36 = arith.mulf %mul3A_35, %add3A_33 : vector<128x1xf32>
    %sub3A_37 = vector.broadcast %mul3A_36 : vector<128x1xf32> to vector<128x4096xf32>
    %sub3A_38 = arith.subf %get3A_1, %sub3A_37 : vector<128x4096xf32>
    %max3A_39 = arith.constant 0.000000e+00 : f32
    %max3A_40 = vector.broadcast %max3A_39 : f32 to vector<128x4096xf32>
    %max3A_41 = arith.maximumf %sub3A_38, %max3A_40 : vector<128x4096xf32>
    %reduce_sum3A_42 = arith.constant dense<0.000000e+00> : vector<128xf32>
    %reduce_sum3A_43 = vector.multi_reduction <add>, %max3A_41, %reduce_sum3A_42 [1] : vector<128x4096xf32> to vector<128xf32>
    %broadcast_in_dim3A_44 = vector.shape_cast %reduce_sum3A_43 : vector<128xf32> to vector<128x1xf32>
    %ge3A_45 = arith.constant 1.000000e+00 : f32
    %ge3A_46 = vector.broadcast %ge3A_45 : f32 to vector<128x1xf32>
    %ge3A_47 = arith.cmpf oge, %broadcast_in_dim3A_44, %ge3A_46 : vector<128x1xf32>
    %select_n3A_48 = arith.select %ge3A_47, %mul3A_36, %select_n3A_31 : vector<128x1xi1>, vector<128x1xf32>
    %select_n3A_49 = arith.select %ge3A_47, %select_n3A_32, %mul3A_36 : vector<128x1xi1>, vector<128x1xf32>
    %add3A_50 = arith.addf %select_n3A_48, %select_n3A_49 : vector<128x1xf32>
    %mul3A_51 = arith.constant 5.000000e-01 : f32
    %mul3A_52 = vector.broadcast %mul3A_51 : f32 to vector<128x1xf32>
    %mul3A_53 = arith.mulf %mul3A_52, %add3A_50 : vector<128x1xf32>
    %sub3A_54 = vector.broadcast %mul3A_53 : vector<128x1xf32> to vector<128x4096xf32>
    %sub3A_55 = arith.subf %get3A_1, %sub3A_54 : vector<128x4096xf32>
    %max3A_56 = arith.constant 0.000000e+00 : f32
    %max3A_57 = vector.broadcast %max3A_56 : f32 to vector<128x4096xf32>
    %max3A_58 = arith.maximumf %sub3A_55, %max3A_57 : vector<128x4096xf32>
    %reduce_sum3A_59 = arith.constant dense<0.000000e+00> : vector<128xf32>
    %reduce_sum3A_60 = vector.multi_reduction <add>, %max3A_58, %reduce_sum3A_59 [1] : vector<128x4096xf32> to vector<128xf32>
    %broadcast_in_dim3A_61 = vector.shape_cast %reduce_sum3A_60 : vector<128xf32> to vector<128x1xf32>
    %ge3A_62 = arith.constant 1.000000e+00 : f32
    %ge3A_63 = vector.broadcast %ge3A_62 : f32 to vector<128x1xf32>
    %ge3A_64 = arith.cmpf oge, %broadcast_in_dim3A_61, %ge3A_63 : vector<128x1xf32>
    %select_n3A_65 = arith.select %ge3A_64, %mul3A_53, %select_n3A_48 : vector<128x1xi1>, vector<128x1xf32>
    %select_n3A_66 = arith.select %ge3A_64, %select_n3A_49, %mul3A_53 : vector<128x1xi1>, vector<128x1xf32>
    %add3A_67 = arith.addf %select_n3A_65, %select_n3A_66 : vector<128x1xf32>
    %mul3A_68 = arith.constant 5.000000e-01 : f32
    %mul3A_69 = vector.broadcast %mul3A_68 : f32 to vector<128x1xf32>
    %mul3A_70 = arith.mulf %mul3A_69, %add3A_67 : vector<128x1xf32>
    %sub3A_71 = vector.broadcast %mul3A_70 : vector<128x1xf32> to vector<128x4096xf32>
    %sub3A_72 = arith.subf %get3A_1, %sub3A_71 : vector<128x4096xf32>
    %max3A_73 = arith.constant 0.000000e+00 : f32
    %max3A_74 = vector.broadcast %max3A_73 : f32 to vector<128x4096xf32>
    %max3A_75 = arith.maximumf %sub3A_72, %max3A_74 : vector<128x4096xf32>
    %reduce_sum3A_76 = arith.constant dense<0.000000e+00> : vector<128xf32>
    %reduce_sum3A_77 = vector.multi_reduction <add>, %max3A_75, %reduce_sum3A_76 [1] : vector<128x4096xf32> to vector<128xf32>
    %broadcast_in_dim3A_78 = vector.shape_cast %reduce_sum3A_77 : vector<128xf32> to vector<128x1xf32>
    %ge3A_79 = arith.constant 1.000000e+00 : f32
    %ge3A_80 = vector.broadcast %ge3A_79 : f32 to vector<128x1xf32>
    %ge3A_81 = arith.cmpf oge, %broadcast_in_dim3A_78, %ge3A_80 : vector<128x1xf32>
    %select_n3A_82 = arith.select %ge3A_81, %mul3A_70, %select_n3A_65 : vector<128x1xi1>, vector<128x1xf32>
    %select_n3A_83 = arith.select %ge3A_81, %select_n3A_66, %mul3A_70 : vector<128x1xi1>, vector<128x1xf32>
    %add3A_84 = arith.addf %select_n3A_82, %select_n3A_83 : vector<128x1xf32>
    %mul3A_85 = arith.constant 5.000000e-01 : f32
    %mul3A_86 = vector.broadcast %mul3A_85 : f32 to vector<128x1xf32>
    %mul3A_87 = arith.mulf %mul3A_86, %add3A_84 : vector<128x1xf32>
    %sub3A_88 = vector.broadcast %mul3A_87 : vector<128x1xf32> to vector<128x4096xf32>
    %sub3A_89 = arith.subf %get3A_1, %sub3A_88 : vector<128x4096xf32>
    %max3A_90 = arith.constant 0.000000e+00 : f32
    %max3A_91 = vector.broadcast %max3A_90 : f32 to vector<128x4096xf32>
    %max3A_92 = arith.maximumf %sub3A_89, %max3A_91 : vector<128x4096xf32>
    %reduce_sum3A_93 = arith.constant dense<0.000000e+00> : vector<128xf32>
    %reduce_sum3A_94 = vector.multi_reduction <add>, %max3A_92, %reduce_sum3A_93 [1] : vector<128x4096xf32> to vector<128xf32>
    %broadcast_in_dim3A_95 = vector.shape_cast %reduce_sum3A_94 : vector<128xf32> to vector<128x1xf32>
    %ge3A_96 = arith.constant 1.000000e+00 : f32
    %ge3A_97 = vector.broadcast %ge3A_96 : f32 to vector<128x1xf32>
    %ge3A_98 = arith.cmpf oge, %broadcast_in_dim3A_95, %ge3A_97 : vector<128x1xf32>
    %select_n3A_99 = arith.select %ge3A_98, %mul3A_87, %select_n3A_82 : vector<128x1xi1>, vector<128x1xf32>
    %select_n3A_100 = arith.select %ge3A_98, %select_n3A_83, %mul3A_87 : vector<128x1xi1>, vector<128x1xf32>
    %add3A_101 = arith.addf %select_n3A_99, %select_n3A_100 : vector<128x1xf32>
    %mul3A_102 = arith.constant 5.000000e-01 : f32
    %mul3A_103 = vector.broadcast %mul3A_102 : f32 to vector<128x1xf32>
    %mul3A_104 = arith.mulf %mul3A_103, %add3A_101 : vector<128x1xf32>
    %sub3A_105 = vector.broadcast %mul3A_104 : vector<128x1xf32> to vector<128x4096xf32>
    %sub3A_106 = arith.subf %get3A_1, %sub3A_105 : vector<128x4096xf32>
    %max3A_107 = arith.constant 0.000000e+00 : f32
    %max3A_108 = vector.broadcast %max3A_107 : f32 to vector<128x4096xf32>
    %max3A_109 = arith.maximumf %sub3A_106, %max3A_108 : vector<128x4096xf32>
    %reduce_sum3A_110 = arith.constant dense<0.000000e+00> : vector<128xf32>
    %reduce_sum3A_111 = vector.multi_reduction <add>, %max3A_109, %reduce_sum3A_110 [1] : vector<128x4096xf32> to vector<128xf32>
    %broadcast_in_dim3A_112 = vector.shape_cast %reduce_sum3A_111 : vector<128xf32> to vector<128x1xf32>
    %ge3A_113 = arith.constant 1.000000e+00 : f32
    %ge3A_114 = vector.broadcast %ge3A_113 : f32 to vector<128x1xf32>
    %ge3A_115 = arith.cmpf oge, %broadcast_in_dim3A_112, %ge3A_114 : vector<128x1xf32>
    %select_n3A_116 = arith.select %ge3A_115, %mul3A_104, %select_n3A_99 : vector<128x1xi1>, vector<128x1xf32>
    %select_n3A_117 = arith.select %ge3A_115, %select_n3A_100, %mul3A_104 : vector<128x1xi1>, vector<128x1xf32>
    %add3A_118 = arith.addf %select_n3A_116, %select_n3A_117 : vector<128x1xf32>
    %mul3A_119 = arith.constant 5.000000e-01 : f32
    %mul3A_120 = vector.broadcast %mul3A_119 : f32 to vector<128x1xf32>
    %mul3A_121 = arith.mulf %mul3A_120, %add3A_118 : vector<128x1xf32>
    %sub3A_122 = vector.broadcast %mul3A_121 : vector<128x1xf32> to vector<128x4096xf32>
    %sub3A_123 = arith.subf %get3A_1, %sub3A_122 : vector<128x4096xf32>
    %max3A_124 = arith.constant 0.000000e+00 : f32
    %max3A_125 = vector.broadcast %max3A_124 : f32 to vector<128x4096xf32>
    %max3A_126 = arith.maximumf %sub3A_123, %max3A_125 : vector<128x4096xf32>
    %reduce_sum3A_127 = arith.constant dense<0.000000e+00> : vector<128xf32>
    %reduce_sum3A_128 = vector.multi_reduction <add>, %max3A_126, %reduce_sum3A_127 [1] : vector<128x4096xf32> to vector<128xf32>
    %broadcast_in_dim3A_129 = vector.shape_cast %reduce_sum3A_128 : vector<128xf32> to vector<128x1xf32>
    %ge3A_130 = arith.constant 1.000000e+00 : f32
    %ge3A_131 = vector.broadcast %ge3A_130 : f32 to vector<128x1xf32>
    %ge3A_132 = arith.cmpf oge, %broadcast_in_dim3A_129, %ge3A_131 : vector<128x1xf32>
    %select_n3A_133 = arith.select %ge3A_132, %mul3A_121, %select_n3A_116 : vector<128x1xi1>, vector<128x1xf32>
    %select_n3A_134 = arith.select %ge3A_132, %select_n3A_117, %mul3A_121 : vector<128x1xi1>, vector<128x1xf32>
    %add3A_135 = arith.addf %select_n3A_133, %select_n3A_134 : vector<128x1xf32>
    %mul3A_136 = arith.constant 5.000000e-01 : f32
    %mul3A_137 = vector.broadcast %mul3A_136 : f32 to vector<128x1xf32>
    %mul3A_138 = arith.mulf %mul3A_137, %add3A_135 : vector<128x1xf32>
    %sub3A_139 = vector.broadcast %mul3A_138 : vector<128x1xf32> to vector<128x4096xf32>
    %sub3A_140 = arith.subf %get3A_1, %sub3A_139 : vector<128x4096xf32>
    %max3A_141 = arith.constant 0.000000e+00 : f32
    %max3A_142 = vector.broadcast %max3A_141 : f32 to vector<128x4096xf32>
    %max3A_143 = arith.maximumf %sub3A_140, %max3A_142 : vector<128x4096xf32>
    %reduce_sum3A_144 = arith.constant dense<0.000000e+00> : vector<128xf32>
    %reduce_sum3A_145 = vector.multi_reduction <add>, %max3A_143, %reduce_sum3A_144 [1] : vector<128x4096xf32> to vector<128xf32>
    %broadcast_in_dim3A_146 = vector.shape_cast %reduce_sum3A_145 : vector<128xf32> to vector<128x1xf32>
    %ge3A_147 = arith.constant 1.000000e+00 : f32
    %ge3A_148 = vector.broadcast %ge3A_147 : f32 to vector<128x1xf32>
    %ge3A_149 = arith.cmpf oge, %broadcast_in_dim3A_146, %ge3A_148 : vector<128x1xf32>
    %select_n3A_150 = arith.select %ge3A_149, %mul3A_138, %select_n3A_133 : vector<128x1xi1>, vector<128x1xf32>
    %select_n3A_151 = arith.select %ge3A_149, %select_n3A_134, %mul3A_138 : vector<128x1xi1>, vector<128x1xf32>
    %add3A_152 = arith.addf %select_n3A_150, %select_n3A_151 : vector<128x1xf32>
    %mul3A_153 = arith.constant 5.000000e-01 : f32
    %mul3A_154 = vector.broadcast %mul3A_153 : f32 to vector<128x1xf32>
    %mul3A_155 = arith.mulf %mul3A_154, %add3A_152 : vector<128x1xf32>
    %sub3A_156 = vector.broadcast %mul3A_155 : vector<128x1xf32> to vector<128x4096xf32>
    %sub3A_157 = arith.subf %get3A_1, %sub3A_156 : vector<128x4096xf32>
    %max3A_158 = arith.constant 0.000000e+00 : f32
    %max3A_159 = vector.broadcast %max3A_158 : f32 to vector<128x4096xf32>
    %max3A_160 = arith.maximumf %sub3A_157, %max3A_159 : vector<128x4096xf32>
    %reduce_sum3A_161 = arith.constant dense<0.000000e+00> : vector<128xf32>
    %reduce_sum3A_162 = vector.multi_reduction <add>, %max3A_160, %reduce_sum3A_161 [1] : vector<128x4096xf32> to vector<128xf32>
    %broadcast_in_dim3A_163 = vector.shape_cast %reduce_sum3A_162 : vector<128xf32> to vector<128x1xf32>
    %ge3A_164 = arith.constant 1.000000e+00 : f32
    %ge3A_165 = vector.broadcast %ge3A_164 : f32 to vector<128x1xf32>
    %ge3A_166 = arith.cmpf oge, %broadcast_in_dim3A_163, %ge3A_165 : vector<128x1xf32>
    %select_n3A_167 = arith.select %ge3A_166, %mul3A_155, %select_n3A_150 : vector<128x1xi1>, vector<128x1xf32>
    %select_n3A_168 = arith.select %ge3A_166, %select_n3A_151, %mul3A_155 : vector<128x1xi1>, vector<128x1xf32>
    %add3A_169 = arith.addf %select_n3A_167, %select_n3A_168 : vector<128x1xf32>
    %mul3A_170 = arith.constant 5.000000e-01 : f32
    %mul3A_171 = vector.broadcast %mul3A_170 : f32 to vector<128x1xf32>
    %mul3A_172 = arith.mulf %mul3A_171, %add3A_169 : vector<128x1xf32>
    %sub3A_173 = vector.broadcast %mul3A_172 : vector<128x1xf32> to vector<128x4096xf32>
    %sub3A_174 = arith.subf %get3A_1, %sub3A_173 : vector<128x4096xf32>
    %max3A_175 = arith.constant 0.000000e+00 : f32
    %max3A_176 = vector.broadcast %max3A_175 : f32 to vector<128x4096xf32>
    %max3A_177 = arith.maximumf %sub3A_174, %max3A_176 : vector<128x4096xf32>
    %reduce_sum3A_178 = arith.constant dense<0.000000e+00> : vector<128xf32>
    %reduce_sum3A_179 = vector.multi_reduction <add>, %max3A_177, %reduce_sum3A_178 [1] : vector<128x4096xf32> to vector<128xf32>
    %broadcast_in_dim3A_180 = vector.shape_cast %reduce_sum3A_179 : vector<128xf32> to vector<128x1xf32>
    %ge3A_181 = arith.constant 1.000000e+00 : f32
    %ge3A_182 = vector.broadcast %ge3A_181 : f32 to vector<128x1xf32>
    %ge3A_183 = arith.cmpf oge, %broadcast_in_dim3A_180, %ge3A_182 : vector<128x1xf32>
    %select_n3A_184 = arith.select %ge3A_183, %mul3A_172, %select_n3A_167 : vector<128x1xi1>, vector<128x1xf32>
    %select_n3A_185 = arith.select %ge3A_183, %select_n3A_168, %mul3A_172 : vector<128x1xi1>, vector<128x1xf32>
    %add3A_186 = arith.addf %select_n3A_184, %select_n3A_185 : vector<128x1xf32>
    %mul3A_187 = arith.constant 5.000000e-01 : f32
    %mul3A_188 = vector.broadcast %mul3A_187 : f32 to vector<128x1xf32>
    %mul3A_189 = arith.mulf %mul3A_188, %add3A_186 : vector<128x1xf32>
    %sub3A_190 = vector.broadcast %mul3A_189 : vector<128x1xf32> to vector<128x4096xf32>
    %sub3A_191 = arith.subf %get3A_1, %sub3A_190 : vector<128x4096xf32>
    %max3A_192 = arith.constant 0.000000e+00 : f32
    %max3A_193 = vector.broadcast %max3A_192 : f32 to vector<128x4096xf32>
    %max3A_194 = arith.maximumf %sub3A_191, %max3A_193 : vector<128x4096xf32>
    %reduce_sum3A_195 = arith.constant dense<0.000000e+00> : vector<128xf32>
    %reduce_sum3A_196 = vector.multi_reduction <add>, %max3A_194, %reduce_sum3A_195 [1] : vector<128x4096xf32> to vector<128xf32>
    %broadcast_in_dim3A_197 = vector.shape_cast %reduce_sum3A_196 : vector<128xf32> to vector<128x1xf32>
    %ge3A_198 = arith.constant 1.000000e+00 : f32
    %ge3A_199 = vector.broadcast %ge3A_198 : f32 to vector<128x1xf32>
    %ge3A_200 = arith.cmpf oge, %broadcast_in_dim3A_197, %ge3A_199 : vector<128x1xf32>
    %select_n3A_201 = arith.select %ge3A_200, %mul3A_189, %select_n3A_184 : vector<128x1xi1>, vector<128x1xf32>
    %gt3A = vector.broadcast %select_n3A_201 : vector<128x1xf32> to vector<128x4096xf32>
    %gt3A_202 = arith.cmpf ogt, %get3A_1, %gt3A : vector<128x4096xf32>
    %convert_element_type3A = arith.extui %gt3A_202 : vector<128x4096xi1> to vector<128x4096xi32>
    %convert_element_type3A_203 = arith.sitofp %convert_element_type3A : vector<128x4096xi32> to vector<128x4096xf32>
    %reduce_sum3A_204 = arith.constant dense<0.000000e+00> : vector<128xf32>
    %reduce_sum3A_205 = vector.multi_reduction <add>, %convert_element_type3A_203, %reduce_sum3A_204 [1] : vector<128x4096xf32> to vector<128xf32>
    %broadcast_in_dim3A_206 = vector.shape_cast %reduce_sum3A_205 : vector<128xf32> to vector<128x1xf32>
    %jit3A = arith.constant 0.000000e+00 : f32
    %broadcast_in_dim3A_207 = vector.broadcast %jit3A : f32 to vector<128x4096xf32>
    %select_n3A_208 = arith.select %gt3A_202, %get3A_1, %broadcast_in_dim3A_207 : vector<128x4096xi1>, vector<128x4096xf32>
    %reduce_sum3A_209 = arith.constant dense<0.000000e+00> : vector<128xf32>
    %reduce_sum3A_210 = vector.multi_reduction <add>, %select_n3A_208, %reduce_sum3A_209 [1] : vector<128x4096xf32> to vector<128xf32>
    %broadcast_in_dim3A_211 = vector.shape_cast %reduce_sum3A_210 : vector<128xf32> to vector<128x1xf32>
    %sub3A_212 = arith.constant 1.000000e+00 : f32
    %sub3A_213 = vector.broadcast %sub3A_212 : f32 to vector<128x1xf32>
    %sub3A_214 = arith.subf %broadcast_in_dim3A_211, %sub3A_213 : vector<128x1xf32>
    %max3A_215 = arith.constant 1.000000e+00 : f32
    %max3A_216 = vector.broadcast %max3A_215 : f32 to vector<128x1xf32>
    %max3A_217 = arith.maximumf %broadcast_in_dim3A_206, %max3A_216 : vector<128x1xf32>
    %div3A = arith.divf %sub3A_214, %max3A_217 : vector<128x1xf32>
    %sub3A_218 = vector.broadcast %div3A : vector<128x1xf32> to vector<128x4096xf32>
    %sub3A_219 = arith.subf %get3A_1, %sub3A_218 : vector<128x4096xf32>
    %max3A_220 = arith.constant 0.000000e+00 : f32
    %max3A_221 = vector.broadcast %max3A_220 : f32 to vector<128x4096xf32>
    %max3A_222 = arith.maximumf %sub3A_219, %max3A_221 : vector<128x4096xf32>
    %swap3A = arith.constant 0 : index
    %swap3A_223 = arith.constant 0 : index
    %swap3A_224 = vector.load %arg2[%swap3A, %swap3A_223] : memref<128x4096xf32, #tpu.memory_space<vmem>>, vector<128x4096xf32>
    tpu.vector_store %arg2[%swap3A, %swap3A_223], %max3A_222 {strides = array<i32>} : memref<128x4096xf32, #tpu.memory_space<vmem>>, vector<128x4096xf32>,
    return
  }
  func.func @transform_0(%arg0: i32) -> (i32, i32) {
    %add3A = arith.constant 22 : i32
    %add3A_0 = arith.addi %arg0, %add3A : i32
    %c0_i32 = arith.constant 0 : i32
    %c0_i32_1 = arith.constant 0 : i32
    return %add3A_0, %c0_i32 : i32, i32
  }
  func.func @transform_1(%arg0: i32) -> (i32, i32) {
    %c0_i32 = arith.constant 0 : i32
    %c0_i32_0 = arith.constant 0 : i32
    return %arg0, %c0_i32 : i32, i32
  }
}

</mosaic_0001>

<sc_bundles>
// kernel: kernel.4.cloned.1.call-start
scs
__scs_entry_jumppad:
0x0: {  	(pc) =	sbr.rel $0x88, $3  }
0x1: {  	(tag) =	ssettag $0x0;
	lr =	simm.s32 $0x1  }
0x2: {  	[smem:$0x3FA0] =	sst lr;
	_ =	strace $0xD0000000  }
0x3: {  	_ = 	snop  }
0x4: {  	_ = 	snop  }
0x5: {  	_ = 	snop  }
0x6: {  	_ = 	snop  }
0x7: {  	_ = 	snop  }
__scs_overlays_trampoline_lowered:
0x8: {  	[smem:$0x3FAF] =	sst s0  }
0x9: {  	[smem:$0x3FB0] =	sst s1  }
0xa: {  	[smem:$0x3FB1] =	sst s2  }
0xb: {  	[smem:$0x3FB2] =	sst s3  }
0xc: {  	[smem:$0x3FB3] =	sst s4  }
0xd: {  	[smem:$0x3FB4] =	sst s5  }
0xe: {  	[smem:$0x3FB5] =	sst s6  }
0xf: {  	[smem:$0x3FB6] =	sst s7  }
0x10: {  	[smem:$0x3FB7] =	sst s8  }
0x11: {  	[smem:$0x3FB8] =	sst s9;
	s0 =	simm.s32 @!p0 $0x0  }
0x12: {  	s1 =	sld [smem:$0x3F9E];
	s0 =	simm.s32 @p0 $0x1  }
0x13: {  	[smem:$0x3FB9] =	sst s0;
	s0 =	simm.s32 @!p1 $0x0  }
0x14: {  	s2 =	sld [smem:$0x3F9D];
	s0 =	simm.s32 @p1 $0x1  }
0x15: {  	[smem:$0x3FBA] =	sst s0;
	s0 =	simm.s32 @!p2 $0x0  }
0x16: {  	s3 =	sld [smem:$0x3FDB];
	s0 =	simm.s32 @p2 $0x1  }
0x17: {  	s4 =	simm.s32 $0x1BF5;
	[smem:$0x3FBC] =	sst s0  }
0x18: {  	s0 =	sld [smem:$0x3F9F];
	_ =	swait.ge [sflag:s4], $0x0  }
0x19: {  	s7 =	sld [smem:$0x3FA0]  }
0x1a: {  	s8 =	sadd.s32 $0xFFFFE003, lr  }
0x1b: {  	s9 =	sadd.s32 $0xFFFFFEF7, lr;
	s5 =	simm.s32 $0xFFFFFFFF;
	p2 =	slt.u32 s8, $0xFFFFF086  }
0x1c: {  	p1 =	slt.u32 s9, $0xF7A;
	s5 =	simm.s32 @!p2 $0x0  }
0x1d: {  	s5 =	simm.s32 @p1 $0x1;
	p0 =	seq.s32 s7, s2  }
0x1e: {  	s7 =	smul.u32 @!p0 $0xF7A, s2;
	p2 =	seq.s32 @!p0 s5, $0x0  }
0x1f: {  	s9 =	smul.u32 $0xF7A, s1;
	s8 =	simm.s32 @!p0 $0x1BF5;
	p2 =	por !p2, p0  }
0x20: {  	[sflag:s8] =	ssyncset.s32 @!p0 $0xFFFFF086;
	s6 =	sadd.s32 @!p0 s3, s7;
	s7 =	simm.s32 @!p0 $0x108  }
0x21: {  	s3 =	sadd.s32 s3, s9;
	s6 =	sadd.s32 @!p0 $0x88, s6;
	s7 =	simm.s32 @p2 $0x1082  }
0x22: {  	[simem:s7], [sflag:s8] =	dma.local @!p0 [hbm:s6], $0xF7A  }
0x23: {  	s9 =	sor.u32 $0xD0000000, s2;
	s6 =	simm.s32 $0x108;
	_ =	swait.ge @!p0 [sflag:s8], $0x0  }
0x24: {  	s3 =	sadd.s32 $0x88, s3;
	s6 =	simm.s32 @!p1 $0x1082;
	[sflag:s4] =	ssyncset.s32 $0xFFFFF086  }
0x25: {  	[simem:s6], [sflag:s4] =	dma.local [hbm:s3], $0xF7A  }
0x26: {  	[smem:$0x3FA0] =	sst s1;
	(tag) =	ssettag s2;
	_ =	strace s9  }
0x27: {  	s1 =	sld [smem:$0x3FB0]  }
0x28: {  	s2 =	sld [smem:$0x3FB1]  }
0x29: {  	s4 =	sld [smem:$0x3FB3]  }
0x2a: {  	p0 =	seq.s32 s5, $0x0;
	s5 =	sld [smem:$0x3FB4]  }
0x2b: {  	s6 =	sld [smem:$0x3FB5]  }
0x2c: {  	s7 =	sld [smem:$0x3FB6]  }
0x2d: {  	s3 =	simm.s32 $0x108;
	s8 =	sld [smem:$0x3FB7]  }
0x2e: {  	s3 =	simm.s32 @!p0 $0x1082;
	s9 =	sld [smem:$0x3FB8]  }
0x2f: {  	lr =	sadd.s32 s0, s3;
	s0 =	sld [smem:$0x3FAF]  }
0x30: {  	s3 =	sld [smem:$0x3FB2]  }
0x31: {  	[smem:$0x3FBB] =	sst s10  }
0x32: {  	s10 =	sld [smem:$0x3FB9];
	_ =	sdelay $0x3  }
0x33: {  	p0 =	seq.s32 s10, $0x1;
	s10 =	sld [smem:$0x3FBB];
	_ =	sdelay $0x3  }
0x34: {  	[smem:$0x3FBB] =	sst s10  }
0x35: {  	s10 =	sld [smem:$0x3FBA];
	_ =	sdelay $0x3  }
0x36: {  	p1 =	seq.s32 s10, $0x1;
	s10 =	sld [smem:$0x3FBB];
	_ =	sdelay $0x3  }
0x37: {  	[smem:$0x3FBB] =	sst s10  }
0x38: {  	s10 =	sld [smem:$0x3FBC]  }
0x39: {  	_ = 	snop;
	(pc) =	sbr.ind lr, $3  }
0x3a: {  	_ = 	snop  }
0x3b: {  	_ = 	snop  }
0x3c: {  	p2 =	seq.s32 s10, $0x1;
	s10 =	sld [smem:$0x3FBB]  }
0x3d: {  	_ =	shalt  }
0x3e: {  	_ =	shalt  }
0x3f: {  	_ =	shalt  }
0x40: {  	_ =	shalt  }
0x41: {  	_ =	shalt  }
0x42: {  	_ =	shalt  }
0x43: {  	_ =	shalt  }
0x44: {  	_ =	shalt  }
0x45: {  	_ =	shalt  }
0x46: {  	_ =	shalt  }
0x47: {  	_ =	shalt  }
0x48: {  	_ =	shalt  }
0x49: {  	_ =	shalt  }
0x4a: {  	_ =	shalt  }
0x4b: {  	_ =	shalt  }
0x4c: {  	_ =	shalt  }
0x4d: {  	_ =	shalt  }
0x4e: {  	_ =	shalt  }
0x4f: {  	_ =	shalt  }
0x50: {  	_ =	shalt  }
0x51: {  	_ =	shalt  }
0x52: {  	_ =	shalt  }
0x53: {  	_ =	shalt  }
0x54: {  	_ =	shalt  }
0x55: {  	_ =	shalt  }
0x56: {  	_ =	shalt  }
0x57: {  	_ =	shalt  }
0x58: {  	_ =	shalt  }
0x59: {  	_ =	shalt  }
0x5a: {  	_ =	shalt  }
0x5b: {  	_ =	shalt  }
0x5c: {  	_ =	shalt  }
0x5d: {  	_ =	shalt  }
0x5e: {  	_ =	shalt  }
0x5f: {  	_ =	shalt  }
0x60: {  	_ =	shalt  }
0x61: {  	_ =	shalt  }
0x62: {  	_ =	shalt  }
0x63: {  	_ =	shalt  }
0x64: {  	_ =	shalt  }
0x65: {  	_ =	shalt  }
0x66: {  	_ =	shalt  }
0x67: {  	_ =	shalt  }
0x68: {  	_ =	shalt  }
0x69: {  	_ =	shalt  }
0x6a: {  	_ =	shalt  }
0x6b: {  	_ =	shalt  }
0x6c: {  	_ =	shalt  }
0x6d: {  	_ =	shalt  }
0x6e: {  	_ =	shalt  }
0x6f: {  	_ =	shalt  }
0x70: {  	_ =	shalt  }
0x71: {  	_ =	shalt  }
0x72: {  	_ =	shalt  }
0x73: {  	_ =	shalt  }
0x74: {  	_ =	shalt  }
0x75: {  	_ =	shalt  }
0x76: {  	_ =	shalt  }
0x77: {  	_ =	shalt  }
0x78: {  	_ =	shalt  }
0x79: {  	_ =	shalt  }
0x7a: {  	_ =	shalt  }
0x7b: {  	_ =	shalt  }
0x7c: {  	_ =	shalt  }
0x7d: {  	_ =	shalt  }
0x7e: {  	_ =	shalt  }
0x7f: {  	_ =	shalt  }
0x80: {  	_ =	shalt  }
0x81: {  	_ =	shalt  }
0x82: {  	_ =	shalt  }
0x83: {  	_ =	shalt  }
0x84: {  	_ =	shalt  }
0x85: {  	_ =	shalt  }
0x86: {  	_ =	shalt  }
0x87: {  	_ =	shalt  }
.Lfunc_end0:
.L_simem_size_0:
called_computation_lowered:
.L_overlay_start_0:
0x88: {  	s2 =	sld [smem:$0x3FD9]  }
0x89: {  	s3 =	sld [smem:$0x3FFE];
	_ =	sdelay $0x1  }
0x8a: {  	s1 =	srdreg.scid  }
0x8b: {  	s0 =	sand.u32 $0x1, s1  }
0x8c: {  	s17 =	sshll.u32 s0, $0xA;
	s2 =	sadd.s32 s3, s2  }
0x8d: {  	s2 =	sadd.s32 s2, s17  }
0x8e: {  	[smem:$0x3FC7] =	sst s2  }
0x8f: {  	_ = 	snop  }
0x90: {  	s2 =	sld [smem:$0x3FC9];
	(tm) =	ssettm $0x1  }
0x91: {  	s18 =	sld [smem:$0x3FFB];
	_ =	sdelay $0x3  }
0x92: {  	_ =	strace s18  }
0x93: {  	s3 =	sld [smem:$0x3FFC];
	_ =	sdelay $0x3  }
0x94: {  	_ =	strace s3  }
0x95: {  	s3 =	sld [smem:$0x3FFD];
	_ =	sdelay $0x3  }
0x96: {  	_ =	strace s3  }
0x97: {  	_ =	strace $0x8FFFFFFF  }
0x98: {  	s19 =	sld [smem:$0x3FDB];
	_ =	sdelay $0x1  }
0x99: {  	s4 =	simm.s32 $_scs_section_size  }
0x9a: {  	s5 =	simm.s32 $_size__tile_overlayer_lowered;
	s6 =	simm.s32 $_tile_overlayer_lowered  }
0x9b: {  	s22 =	simm.s32 $0x1BFF;
	s21 =	sshll.u32 s6, $0x1;
	s3 =	sadd.s32 s4, s19  }
0x9c: {  	s7 =	simm.s32 $0x0;
	s20 =	sshll.u32 s5, $0x1;
	s5 =	sadd.s32 s21, s3  }
0x9d: {  	[timem:s7], [sflag:s22] =	dma.local [hbm:s5], s20  }
0x9e: {  	_ =	swait.ge [sflag:s22], s20  }
0x9f: {  	s4 =	ssub.s32 $0x0, s20;
	[sflag:s22] =	ssyncset.done $0x0  }
0xa0: {  	[sflag:s22] =	ssyncadd.s32 s4;
	_ =	sdelay $0x1  }
0xa1: {  	s23 =	simm.s32 $0x1B8B  }
0xa2: {  	_ =	swait.ge [sflag:s23], $0x1  }
0xa3: {  	[sflag:s23] =	ssyncset.done $0x0  }
0xa4: {  	s25 =	simm.s32 $0x1B8E;
	s24 =	sld [smem:$0x3FFE];
	[sflag:s23] =	ssyncadd.s32 $0xFFFFFFFF  }
0xa5: {  	s26 =	simm.s32 $execute0_lowered;
	[smem:$0x3FD2] =	sst s25  }
0xa6: {  	s5 =	sshll.u32 s26, $0x1;
	_ =	strace $0x80000046;
	[dreg:$0x1] =	wrdreg $0xFFFFFFFF  }
0xa7: {  	s28 =	simm.s32 $_size_execute0_lowered;
	s3 =	sadd.s32 s3, s5;
	[dreg:$0x0] =	wrdreg $0x0  }
0xa8: {  	s5 =	sshll.u32 s28, $0x1;
	[dreg:$0x2] =	wrdreg s3  }
0xa9: {  	[dreg:$0x3] =	wrdreg s5  }
0xaa: {  	[dreg:$0x4] =	wrdreg $0xC0  }
0xab: {  	_ =	task [dreg:s7], $0x5FFFF  }
0xac: {  	[dreg:$0x1] =	wrdreg $0xFFFFFFFF  }
0xad: {  	[dreg:$0x0] =	wrdreg $0x60  }
0xae: {  	[dreg:$0x2] =	wrdreg s2  }
0xaf: {  	[dreg:$0x3] =	wrdreg s24  }
0xb0: {  	[dreg:$0x4] =	wrdreg $0x9  }
0xb1: {  	_ =	task.clear_ibuf [dreg:s7], $0x5FFFF;
	_ =	strace $0x90000046  }
0xb2: {  	s29 =	simm.s32 $0x9;
	_ =	strace $0x80000048  }
0xb3: {  	_ =	swait.ge [sflag:s29], $0x1  }
0xb4: {  	[sflag:s29] =	ssyncadd.s32 $0xFFFFFFFF  }
0xb5: {  	_ =	strace $0x90000048  }
0xb6: {  	_ =	sfence  }
0xb7: {  	s30 =	sld [smem:$0x0];
	_ =	sdelay $0x2  }
0xb8: {  	s31 =	sshll.u32 s1, $0xD;
	s1 =	sshrl.u32 s1, $0x2  }
0xb9: {  	s3 =	sand.u32 $0x4000, s31;
	s1 =	sadd.s32 s1, s30  }
0xba: {  	s0 =	sor.u32 s3, s0;
	s1 =	sshll.u32 s1, $0x11  }
0xbb: {  	s0 =	sor.u32 s1, s0  }
0xbc: {  	s0 =	sadd.s32 $0x8F2B, s0  }
0xbd: {  	[sflag:s0] =	ssyncadd.remote.s32 $0x1  }
0xbe: {  	_ =	sfence.sel $0xFFFF  }
0xbf: {  	[dreg:$0x0] =	wrdreg $0xFFFFFFFF;
	(pc) =	sbr.abs _section_cstart, $3  }
0xc0: {  	[dreg:$0x1] =	wrdreg $0xFFFFFFFF  }
0xc1: {  	_ =	task.clear_ibuf [dreg:s7], $0x2FFFF;
	_ =	strace $0x9FFFFFFF  }
0xc2: {  	(tm) =	ssettm $0x7FFFFFFF  }
0xc3: {  	_ =	shalt  }
tec
execute0_lowered:
.L_overlay_start_1:
0x0: {  	(tag) =	ssettag $0x1  }
0x1: {  	s1 =	srdreg.scid;
	s9 =	rddreg [dreg:$0x0]  }
0x2: {  	s0 =	stileid.u32;
	s8 =	rddreg [dreg:$0x1]  }
0x3: {  	s2 =	simm.s32 $0x0;
	s11 =	simm.s32 $0x200;
	s12 =	simm.s32 $0x400  }
0x4: {  	s13 =	simm.s32 $0x4000;
	s14 =	simm.s32 $0x1;
	s15 =	simm.s32 $0x10000  }
0x5: {  	s16 =	simm.s32 $0x8000;
	s17 =	simm.s32 $0x2;
	s18 =	simm.s32 $0xC000  }
0x6: {  	s19 =	simm.s32 $0x3;
	s20 =	simm.s32 $0x4;
	s21 =	simm.s32 $0x0  }
0x7: {  	s4 =	sand.u32 $0x1, s1;
	s31 =	sshll.u32 s0, $0x1;
	s1 =	rddreg [dreg:$0x2]  }
.Ltmp0:
0x8: {  	[smem:$0x7FF] =	sst s2;
	s3 =	sor.u32 s4, s31;
	(pc) =	sbr.rel .LBB2_1-.Ltmp0, $4  }
0x9: {  	v0 =	vlaneseq.u32;
	s5 =	sadd.s32 $0x400, s8;
	s6 =	ssub.s32 $0x2, s4;
	s3 =	smul.u32 $0xB000, s3  }
0xa: {  	s8 =	sadd.s32 $0x440, s8;
	v0 =	vmul.u32 $0xFFFFFFFF, v0;
	_ =	strace $0x80000047;
	s7 =	sshrl.u32 s6, $0x1  }
0xb: {  	s10 =	ssub.s32 s6, s7;
	s7 =	sadd.s32 $0x1000, s9;
	s4 =	sadd.s32 s9, s3  }
0xc: {  	v1 =	vimm.s32 $0x0;
	v2 =	vimm.f32 $0.0e+00;
	v0 =	vadd.s32 $0xF, v0;
	s9 =	sadd.s32 $0x1040, s9;
	s10 =	smax.u32 s10, $0x1;
	s6 =	sadd.s32 $0x40, s4  }
.LBB2_42:
0xd: {  	s21 =	sadd.s32 $0x1, s21  }
0xe: {  	_ =	swait.ge [sflag:s19], $0x4000;
	p0 =	sne.s32 s21, s10  }
.Ltmp1:
0xf: {  	[sflag:s19] =	ssyncset.done $0x0;
	(pc) =	sbr.rel @!p0 .LBB2_43-.Ltmp1, $4  }
0x10: {  	[sflag:s19] =	ssyncadd.s32 $0xFFFFC000  }
0x11: {  	_ =	swait.ge [sflag:s20], $0x4000  }
0x12: {  	[sflag:s20] =	ssyncset.done $0x0  }
0x13: {  	[sflag:s20] =	ssyncadd.s32 $0xFFFFC000  }
.LBB2_1:
0x14: {  	[tilespmem:s2], [sflag:$0x1] =	stream.strided.gather [hbm4b:s4+s11], $0x4000, s12, s11, $0x38;
	[tilespmem:$0x11080] =	vst v63  }
0x15: {  	s22 =	simm.s32 $0x0  }
0x16: {  	[tilespmem:s13], [sflag:$0x2] =	stream.strided.gather [hbm4b:s6+s11], $0x4000, s12, s11, $0x38;
	[tilespmem:$0x11080] =	vst v63  }
.LBB2_2:
0x17: {  	_ =	swait.ge [sflag:s14], $0x4000  }
0x18: {  	p0 =	seq.s32 s22, $0x0;
	[sflag:s14] =	ssyncset.done $0x0  }
0x19: {  	s23 =	simm.s32 @!p0 $0x3;
	[sflag:s14] =	ssyncadd.s32 $0xFFFFC000  }
0x1a: {  	_ =	swait.ge @!p0 [sflag:s23], $0x4000  }
0x1b: {  	s24 =	simm.s32 $0x40;
	[sflag:s23] =	ssyncset.done @!p0 $0x0  }
0x1c: {  	s25 =	simm.s32 $0x8040;
	[sflag:s23] =	ssyncadd.s32 @!p0 $0xFFFFC000;
	s23 =	simm.s32 $0x0  }
.LBB2_3:
0x1d: {  	v3 =	vmov s24;
	_ =	sdelay $0x3  }
0x1e: {  	s29 =	simm.s32 $0x0  }
0x1f: {  	v4 =	vld.idx.msk [tilespmem:v3+s29+$0x30 ss:$0x1], $0xffff  }
0x20: {  	v7 =	vld.idx.msk [tilespmem:v3+s29+$0xFFFFFFC0 ss:$0x1], $0xffff  }
0x21: {  	v16 =	vld.idx.msk [tilespmem:v3+s29+$0xFFFFFFD0 ss:$0x1], $0xffff  }
0x22: {  	v14 =	vld.idx.msk [tilespmem:v3+s29+$0xFFFFFFE0 ss:$0x1], $0xffff  }
0x23: {  	v8 =	vld.idx.msk [tilespmem:v3+s29+$0xFFFFFFF0 ss:$0x1], $0xffff  }
0x24: {  	v10 =	vimm.f32 $-Inf;
	v17 =	vimm.f32 $-Inf;
	v6 =	vld.idx.msk [tilespmem:v3+s29+$0x0 ss:$0x1], $0xffff  }
0x25: {  	v11 =	vimm.f32 $-Inf;
	v13 =	vimm.f32 $-Inf;
	v9 =	vimm.f32 $-Inf;
	v5 =	vld.idx.msk [tilespmem:v3+s29+$0x10 ss:$0x1], $0xffff  }
0x26: {  	s26 =	simm.s32 $0x200;
	s28 =	simm.s32 $0x1000;
	v12 =	vld.idx.msk [tilespmem:v3+s29+$0x20 ss:$0x1], $0xffff;
	v4 =	vmax.f32 v10, v4;
	v15 =	vmax.f32 v10, v7;
	v7 =	vimm.f32 $-Inf  }
.LBB2_4:
0x27: {  	p1 =	sne.s32 s28, $0xF800;
	v18 =	vld.idx.msk [tilespmem:v3+s26+$0x30 ss:$0x1], $0xffff;
	v10 =	vmax.f32 v10, v16  }
0x28: {  	v17 =	vmax.f32 v17, v14;
	v19 =	vld.idx.msk [tilespmem:v3+s26+$0xFFFFFFC0 ss:$0x1], $0xffff  }
0x29: {  	v11 =	vmax.f32 v11, v8;
	v16 =	vld.idx.msk [tilespmem:v3+s26+$0xFFFFFFD0 ss:$0x1], $0xffff  }
.Ltmp2:
0x2a: {  	v13 =	vmax.f32 v13, v6;
	v14 =	vld.idx.msk [tilespmem:v3+s26+$0xFFFFFFE0 ss:$0x1], $0xffff;
	(pc) =	sbr.rel @p1 .LBB2_4-.Ltmp2, $4  }
0x2b: {  	v9 =	vmax.f32 v9, v5;
	v8 =	vld.idx.msk [tilespmem:v3+s26+$0xFFFFFFF0 ss:$0x1], $0xffff  }
0x2c: {  	v7 =	vmax.f32 v7, v12;
	v6 =	vld.idx.msk [tilespmem:v3+s26+$0x0 ss:$0x1], $0xffff  }
0x2d: {  	v4 =	vmax.f32 v4, v18;
	v5 =	vld.idx.msk [tilespmem:v3+s26+$0x10 ss:$0x1], $0xffff  }
0x2e: {  	v15 =	vmax.f32 v15, v19;
	v12 =	vld.idx.msk [tilespmem:v3+s26+$0x20 ss:$0x1], $0xffff;
	s26 =	sshra.s32 s28, $0x2;
	s28 =	sadd.s32 $0x800, s28  }
0x2f: {  	_ =	sdelay $0x3  }
0x30: {  	v18 =	vld.idx.msk [tilespmem:v3+s26+$0xFFFFFFC0 ss:$0x1], $0xffff  }
0x31: {  	v19 =	vld.idx.msk [tilespmem:v3+s26+$0xFFFFFFD0 ss:$0x1], $0xffff  }
0x32: {  	v20 =	vld.idx.msk [tilespmem:v3+s26+$0xFFFFFFE0 ss:$0x1], $0xffff  }
0x33: {  	v21 =	vld.idx.msk [tilespmem:v3+s26+$0xFFFFFFF0 ss:$0x1], $0xffff  }
0x34: {  	v22 =	vld.idx.msk [tilespmem:v3+s26+$0x0 ss:$0x1], $0xffff  }
0x35: {  	v10 =	vmax.f32 v10, v16;
	v35 =	vld.idx.msk [tilespmem:v3+s26+$0x10 ss:$0x1], $0xffff  }
0x36: {  	v14 =	vmax.f32 v17, v14;
	v36 =	vld.idx.msk [tilespmem:v3+s26+$0x20 ss:$0x1], $0xffff;
	v15 =	vmax.f32 v15, v18;
	v10 =	vmax.f32 v10, v19  }
0x37: {  	v37 =	vld.idx.msk [tilespmem:v3+s26+$0x30 ss:$0x1], $0xffff;
	v8 =	vmax.f32 v11, v8;
	v11 =	vmax.f32 v14, v20;
	v10 =	vmax.f32 v15, v10  }
0x38: {  	v6 =	vmax.f32 v13, v6;
	v8 =	vmax.f32 v8, v21;
	v10 =	vmax.f32 v10, v11  }
0x39: {  	v5 =	vmax.f32 v9, v5;
	v6 =	vmax.f32 v6, v22;
	v8 =	vmax.f32 v10, v8  }
0x3a: {  	v7 =	vmax.f32 v7, v12;
	v5 =	vmax.f32 v5, v35;
	v6 =	vmax.f32 v8, v6  }
0x3b: {  	v7 =	vmax.f32 v7, v36;
	v5 =	vmax.f32 v6, v5  }
0x3c: {  	v4 =	vmax.f32 v4, v37;
	v5 =	vmax.f32 v5, v7  }
0x3d: {  	v4 =	vmax.f32 v5, v4  }
0x3e: {  	(xrf0) =	vmax.scan.msk.f32 $0xffff, v4;
	_ =	sdelay $0x5  }
0x3f: {  	v4, _, _ =	vpop (xrf0)  }
0x40: {  	v4 =	vperm.xlane v4, v0;
	_ =	sdelay $0x1  }
0x41: {  	(xrf0) =	vmax.scan.msk.f32 $0xffff, v4;
	_ =	sdelay $0x2  }
0x42: {  	s31 =	simm.s32 $0x0  }
0x43: {  	v7 =	vld.idx.msk [tilespmem:v3+s31+$0xFFFFFFC0 ss:$0x1], $0xffff  }
0x44: {  	v8 =	vld.idx.msk [tilespmem:v3+s31+$0xFFFFFFD0 ss:$0x1], $0xffff  }
0x45: {  	v9 =	vld.idx.msk [tilespmem:v3+s31+$0xFFFFFFE0 ss:$0x1], $0xffff;
	v5, _, _ =	vpop (xrf0)  }
0x46: {  	v10 =	vld.idx.msk [tilespmem:v3+s31+$0xFFFFFFF0 ss:$0x1], $0xffff;
	v4 =	vadd.f32 $-1.000000000e+00, v5  }
0x47: {  	v11 =	vld.idx.msk [tilespmem:v3+s31+$0x0 ss:$0x1], $0xffff  }
0x48: {  	v38 =	vld.idx.msk [tilespmem:v3+s31+$0x10 ss:$0x1], $0xffff;
	vm1 =	vgt.f32 v7, v4  }
0x49: {  	v39 =	vld.idx.msk [tilespmem:v3+s31+$0x20 ss:$0x1], $0xffff;
	vm2 =	vgt.f32 v8, v4;
	v40 =	vsel vm1, $0x1, v1  }
0x4a: {  	v6 =	vld.idx.msk [tilespmem:v3+s31+$0x30 ss:$0x1], $0xffff;
	vm3 =	vgt.f32 v9, v4;
	v41 =	vsel vm2, $0x1, v1;
	(xrf0) =	vadd.scan.msk.s32 $0xffff, v40  }
0x4b: {  	vm4 =	vgt.f32 v10, v4;
	v42 =	vsel vm3, $0x1, v1;
	(xrf0) =	vadd.scan.msk.s32 $0xffff, v41  }
0x4c: {  	vm5 =	vgt.f32 v11, v4;
	v44 =	vsel vm4, $0x1, v1;
	(xrf0) =	vadd.scan.msk.s32 $0xffff, v42  }
0x4d: {  	v43 =	vimm.s32 $0x0;
	vm7 =	vgt.f32 v38, v4;
	v46 =	vsel vm5, $0x1, v1;
	(xrf0) =	vadd.scan.msk.s32 $0xffff, v44  }
0x4e: {  	vm6 =	vgt.f32 v39, v4;
	v45 =	vmpcnt.ones.xlane vm1;
	v48 =	vsel vm7, $0x1, v1;
	(xrf0) =	vadd.scan.msk.s32 $0xffff, v46  }
0x4f: {  	vm0 =	vgt.f32 v6, v4;
	v47 =	vmpcnt.ones.xlane vm2;
	v49 =	vmpcnt.ones.xlane vm3;
	(xrf0) =	vadd.scan.msk.s32 $0xffff, v48  }
0x50: {  	v50 =	vsel vm6, $0x1, v1;
	v51 =	vmpcnt.ones.xlane vm5;
	v53 =	vsel vm0, $0x1, v1;
	v54, _, _ =	vpop (xrf0)  }
0x51: {  	v55 =	vmpcnt.ones.xlane vm4;
	v14 =	vadd.s32 v43, v45;
	v22 =	vadd.s32 v54, v43;
	v56, _, _ =	vpop (xrf0)  }
0x52: {  	(xrf0) =	vadd.scan.msk.s32 $0xffff, v50;
	v22 =	vadd.s32 $0xFFFFFFFF, v22;
	v15 =	vadd.s32 v56, v14;
	v14 =	vadd.s32 v14, v47;
	v57, _, _ =	vpop (xrf0)  }
0x53: {  	v15 =	vadd.s32 $0xFFFFFFFF, v15;
	v16 =	vadd.s32 v57, v14;
	v14 =	vadd.s32 v14, v49;
	v58, _, _ =	vpop (xrf0)  }
0x54: {  	(xrf0) =	vadd.scan.msk.s32 $0xffff, v53;
	v16 =	vadd.s32 $0xFFFFFFFF, v16;
	v17 =	vadd.s32 v58, v14;
	v14 =	vadd.s32 v14, v55;
	v59, _, _ =	vpop (xrf0)  }
0x55: {  	v17 =	vadd.s32 $0xFFFFFFFF, v17;
	v19 =	vadd.s32 v59, v14;
	v14 =	vadd.s32 v14, v51;
	v60, _, _ =	vpop (xrf0)  }
0x56: {  	v52 =	vmpcnt.ones.xlane vm7;
	v19 =	vadd.s32 $0xFFFFFFFF, v19;
	v18 =	vadd.s32 v60, v14  }
0x57: {  	[tilespmem:v22+s15+$0x0] =	vst.idx.msk vm1, v7;
	v7 =	vadd.s32 $0xFFFFFFFF, v18  }
0x58: {  	v14 =	vadd.s32 v14, v52;
	v61, _, _ =	vpop (xrf0);
	[tilespmem:v15+s15+$0x0] =	vst.idx.msk vm2, v8;
	v8 =	vmpcnt.ones.xlane vm6  }
0x59: {  	v62 =	vadd.s32 v61, v14;
	[tilespmem:v16+s15+$0x0] =	vst.idx.msk vm3, v9  }
0x5a: {  	v63 =	vadd.s32 $0xFFFFFFFF, v62;
	v9 =	vmpcnt.ones.xlane vm0;
	[tilespmem:v17+s15+$0x0] =	vst.idx.msk vm4, v10;
	v8 =	vadd.s32 v14, v8;
	v10, _, _ =	vpop (xrf0)  }
0x5b: {  	[tilespmem:v19+s15+$0x0] =	vst.idx.msk vm5, v11;
	v10 =	vadd.s32 v10, v8  }
0x5c: {  	[tilespmem:v7+s15+$0x0] =	vst.idx.msk vm7, v38;
	v7 =	vadd.s32 v8, v9;
	v8 =	vadd.s32 $0xFFFFFFFF, v10;
	_ =	sdelay $0x2  }
0x5d: {  	s26 =	simm.s32 $0x800;
	s28 =	simm.s32 $0x1000;
	[tilespmem:v63+s15+$0x0] =	vst.idx.msk vm6, v39  }
.LBB2_6:
0x5e: {  	p1 =	sne.s32 s28, $0xF800  }
0x5f: {  	s29 =	sshra.s32 s26, $0x2;
	[tilespmem:v8+s15+$0x0] =	vst.idx.msk vm0, v6;
	s26 =	smov.u32 s28;
	s28 =	sadd.s32 $0x800, s28  }
0x60: {  	v8 =	vld.idx.msk [tilespmem:v3+s29+$0xFFFFFFC0 ss:$0x1], $0xffff  }
0x61: {  	v9 =	vld.idx.msk [tilespmem:v3+s29+$0xFFFFFFD0 ss:$0x1], $0xffff  }
0x62: {  	v10 =	vld.idx.msk [tilespmem:v3+s29+$0xFFFFFFE0 ss:$0x1], $0xffff  }
0x63: {  	v11 =	vld.idx.msk [tilespmem:v3+s29+$0xFFFFFFF0 ss:$0x1], $0xffff  }
0x64: {  	v12 =	vld.idx.msk [tilespmem:v3+s29+$0x0 ss:$0x1], $0xffff  }
0x65: {  	v13 =	vld.idx.msk [tilespmem:v3+s29+$0x10 ss:$0x1], $0xffff  }
0x66: {  	vm3 =	vgt.f32 v8, v4;
	v14 =	vld.idx.msk [tilespmem:v3+s29+$0x20 ss:$0x1], $0xffff  }
0x67: {  	v15 =	vsel vm3, $0x1, v1;
	v16 =	vmpcnt.ones.xlane vm3;
	vm1 =	vgt.f32 v9, v4;
	v6 =	vld.idx.msk [tilespmem:v3+s29+$0x30 ss:$0x1], $0xffff  }
0x68: {  	v17 =	vsel vm1, $0x1, v1;
	v18 =	vmpcnt.ones.xlane vm1;
	vm2 =	vgt.f32 v10, v4;
	(xrf0) =	vadd.scan.msk.s32 $0xffff, v15  }
0x69: {  	v15 =	vsel vm2, $0x1, v1;
	v19 =	vmpcnt.ones.xlane vm2;
	vm4 =	vgt.f32 v11, v4;
	(xrf0) =	vadd.scan.msk.s32 $0xffff, v17  }
0x6a: {  	v17 =	vsel vm4, $0x1, v1;
	vm5 =	vgt.f32 v12, v4;
	(xrf0) =	vadd.scan.msk.s32 $0xffff, v15  }
0x6b: {  	v15 =	vsel vm5, $0x1, v1;
	v20 =	vmpcnt.ones.xlane vm5;
	vm6 =	vgt.f32 v13, v4;
	(xrf0) =	vadd.scan.msk.s32 $0xffff, v17  }
0x6c: {  	v17 =	vsel vm6, $0x1, v1;
	vm7 =	vgt.f32 v14, v4;
	(xrf0) =	vadd.scan.msk.s32 $0xffff, v15  }
0x6d: {  	v15 =	vsel vm7, $0x1, v1;
	v21 =	vmpcnt.ones.xlane vm7;
	vm0 =	vgt.f32 v6, v4;
	(xrf0) =	vadd.scan.msk.s32 $0xffff, v17  }
0x6e: {  	v17 =	vmpcnt.ones.xlane vm6;
	v22 =	vsel vm0, $0x1, v1;
	v23 =	vmpcnt.ones.xlane vm0;
	v24, _, _ =	vpop (xrf0);
	(xrf0) =	vadd.scan.msk.s32 $0xffff, v15  }
0x6f: {  	v25 =	vmpcnt.ones.xlane vm4;
	v24 =	vadd.s32 v24, v7;
	v7 =	vadd.s32 v7, v16;
	v16, _, _ =	vpop (xrf0);
	(xrf0) =	vadd.scan.msk.s32 $0xffff, v22  }
0x70: {  	v22 =	vadd.s32 $0xFFFFFFFF, v24;
	v16 =	vadd.s32 v16, v7;
	v7 =	vadd.s32 v7, v18;
	v18, _, _ =	vpop (xrf0)  }
0x71: {  	v16 =	vadd.s32 $0xFFFFFFFF, v16;
	v18 =	vadd.s32 v18, v7;
	v7 =	vadd.s32 v7, v19;
	v19, _, _ =	vpop (xrf0)  }
0x72: {  	v18 =	vadd.s32 $0xFFFFFFFF, v18;
	v19 =	vadd.s32 v19, v7;
	v7 =	vadd.s32 v7, v25;
	v15, _, _ =	vpop (xrf0)  }
0x73: {  	v19 =	vadd.s32 $0xFFFFFFFF, v19;
	v15 =	vadd.s32 v15, v7;
	v7 =	vadd.s32 v7, v20;
	v20, _, _ =	vpop (xrf0)  }
0x74: {  	v15 =	vadd.s32 $0xFFFFFFFF, v15;
	v20 =	vadd.s32 v20, v7;
	v7 =	vadd.s32 v7, v17;
	v17, _, _ =	vpop (xrf0)  }
0x75: {  	[tilespmem:v22+s15+$0x0] =	vst.idx.msk vm3, v8;
	v20 =	vadd.s32 $0xFFFFFFFF, v20;
	v8 =	vadd.s32 v17, v7;
	v7 =	vadd.s32 v7, v21;
	v17, _, _ =	vpop (xrf0)  }
0x76: {  	[tilespmem:v16+s15+$0x0] =	vst.idx.msk vm1, v9;
	v9 =	vadd.s32 $0xFFFFFFFF, v8;
	v8 =	vadd.s32 v17, v7;
	v7 =	vadd.s32 v7, v23  }
.Ltmp3:
0x77: {  	[tilespmem:v18+s15+$0x0] =	vst.idx.msk vm2, v10;
	v8 =	vadd.s32 $0xFFFFFFFF, v8;
	(pc) =	sbr.rel @p1 .LBB2_6-.Ltmp3, $4  }
0x78: {  	[tilespmem:v19+s15+$0x0] =	vst.idx.msk vm4, v11  }
0x79: {  	[tilespmem:v15+s15+$0x0] =	vst.idx.msk vm5, v12  }
0x7a: {  	[tilespmem:v20+s15+$0x0] =	vst.idx.msk vm6, v13  }
0x7b: {  	[tilespmem:v9+s15+$0x0] =	vst.idx.msk vm7, v14  }
0x7c: {  	_ =	sdelay $0x4  }
0x7d: {  	s26 =	sshra.s32 s26, $0x2;
	[tilespmem:v8+s15+$0x0] =	vst.idx.msk vm0, v6  }
0x7e: {  	v6 =	vld.idx.msk [tilespmem:v3+s26+$0xFFFFFFC0 ss:$0x1], $0xffff  }
0x7f: {  	v8 =	vld.idx.msk [tilespmem:v3+s26+$0xFFFFFFD0 ss:$0x1], $0xffff  }
0x80: {  	v9 =	vld.idx.msk [tilespmem:v3+s26+$0xFFFFFFE0 ss:$0x1], $0xffff  }
0x81: {  	v10 =	vld.idx.msk [tilespmem:v3+s26+$0xFFFFFFF0 ss:$0x1], $0xffff  }
0x82: {  	v11 =	vld.idx.msk [tilespmem:v3+s26+$0x0 ss:$0x1], $0xffff  }
0x83: {  	v12 =	vld.idx.msk [tilespmem:v3+s26+$0x10 ss:$0x1], $0xffff  }
0x84: {  	v13 =	vld.idx.msk [tilespmem:v3+s26+$0x20 ss:$0x1], $0xffff  }
0x85: {  	v16 =	vld.idx.msk [tilespmem:v3+s26+$0x30 ss:$0x1], $0xffff;
	vm1 =	vgt.f32 v6, v4  }
0x86: {  	vm15 =	vgt.f32 v8, v4;
	vm2 =	vgt.f32 v9, v4;
	v14 =	vmpcnt.ones.xlane vm1  }
0x87: {  	vm3 =	vgt.f32 v10, v4;
	vm4 =	vgt.f32 v11, v4;
	v17 =	vmpcnt.ones.xlane vm15  }
0x88: {  	vm5 =	vgt.f32 v12, v4;
	v18 =	vmpcnt.ones.xlane vm2;
	v14 =	vadd.s32 v7, v14  }
0x89: {  	vm6 =	vgt.f32 v13, v4;
	v19 =	vmpcnt.ones.xlane vm3;
	v17 =	vadd.s32 v14, v17  }
0x8a: {  	vm7 =	vgt.f32 v16, v4;
	v20 =	vmpcnt.ones.xlane vm4;
	v18 =	vadd.s32 v17, v18  }
0x8b: {  	v15 =	vsel vm1, $0x1, v1;
	v21 =	vmpcnt.ones.xlane vm5;
	v19 =	vadd.s32 v18, v19  }
0x8c: {  	v22 =	vmpcnt.ones.xlane vm6;
	v23 =	vsel vm15, $0x1, v1;
	(xrf0) =	vadd.scan.msk.s32 $0xffff, v15;
	v20 =	vadd.s32 v19, v20  }
0x8d: {  	v50 =	vmpcnt.ones.xlane vm7;
	v24 =	vsel vm2, $0x1, v1;
	(xrf0) =	vadd.scan.msk.s32 $0xffff, v23;
	v21 =	vadd.s32 v20, v21  }
0x8e: {  	v51 =	vsel vm3, $0x1, v1;
	(xrf0) =	vadd.scan.msk.s32 $0xffff, v24;
	v22 =	vadd.s32 v21, v22  }
0x8f: {  	v52 =	vsel vm4, $0x1, v1;
	(xrf0) =	vadd.scan.msk.s32 $0xffff, v51;
	v15 =	vadd.s32 v22, v50  }
0x90: {  	v53 =	vsel vm5, $0x1, v1;
	(xrf0) =	vadd.scan.msk.s32 $0xffff, v52;
	(v2sf) =	vpush v15, $0x0  }
0x91: {  	(xrf0) =	vadd.scan.msk.s32 $0xffff, v53  }
0x92: {  	v54 =	vsel vm6, $0x1, v1;
	v56, _, _ =	vpop (xrf0)  }
0x93: {  	v55 =	vsel vm7, $0x1, v1;
	(xrf0) =	vadd.scan.msk.s32 $0xffff, v54;
	v7 =	vadd.s32 v56, v7;
	v57, _, _ =	vpop (xrf0)  }
0x94: {  	(xrf0) =	vadd.scan.msk.s32 $0xffff, v55;
	v7 =	vadd.s32 $0xFFFFFFFF, v7;
	v14 =	vadd.s32 v57, v14;
	v58, _, _ =	vpop (xrf0)  }
0x95: {  	v14 =	vadd.s32 $0xFFFFFFFF, v14;
	v15 =	vadd.s32 v58, v17;
	v59, _, _ =	vpop (xrf0)  }
0x96: {  	v15 =	vadd.s32 $0xFFFFFFFF, v15;
	v17 =	vadd.s32 v59, v18;
	v60, _, _ =	vpop (xrf0)  }
0x97: {  	v17 =	vadd.s32 $0xFFFFFFFF, v17;
	v18 =	vadd.s32 v60, v19;
	v61, _, _ =	vpop (xrf0)  }
0x98: {  	v18 =	vadd.s32 $0xFFFFFFFF, v18;
	v19 =	vadd.s32 v61, v20  }
0x99: {  	v62, _, _ =	vpop (xrf0);
	[tilespmem:v7+s15+$0x0] =	vst.idx.msk vm1, v6;
	v6 =	vadd.s32 $0xFFFFFFFF, v19  }
0x9a: {  	v7 =	vadd.s32 v62, v21;
	v63, _, _ =	vpop (xrf0);
	[tilespmem:v14+s15+$0x0] =	vst.idx.msk vm15, v8  }
0x9b: {  	v7 =	vadd.s32 $0xFFFFFFFF, v7;
	v8 =	vadd.s32 v63, v22;
	[tilespmem:v15+s15+$0x0] =	vst.idx.msk vm2, v9  }
0x9c: {  	v8 =	vadd.s32 $0xFFFFFFFF, v8;
	[tilespmem:v17+s15+$0x0] =	vst.idx.msk vm3, v10  }
0x9d: {  	[tilespmem:v18+s15+$0x0] =	vst.idx.msk vm4, v11  }
.Ltmp4:
0x9e: {  	[tilespmem:v6+s15+$0x0] =	vst.idx.msk vm5, v12;
	v6 =	vadd.f32 $-1.000000000e+00, v4;
	(pc) =	sbr.rel .LBB2_8-.Ltmp4, $4  }
0x9f: {  	s28 =	spop (v2sf)  }
0xa0: {  	[tilespmem:v7+s15+$0x0] =	vst.idx.msk vm6, v13;
	s31 =	sadd.s32 $0xF, s28  }
0xa1: {  	[tilespmem:v8+s15+$0x0] =	vst.idx.msk vm7, v16;
	s26 =	sshrl.u32 s31, $0x4  }
0xa2: {  	[tilespmem:s28+$0x10000] =	vst v6;
	s28 =	simm.s32 $0x0;
	v6 =	vmov v4;
	p1 =	seq.s32 s26, $0x0  }
.LBB2_11:
0xa3: {  	v9 =	vmax.f32 v9, $0.0e+00  }
0xa4: {  	v8 =	vadd.f32 v9, v8  }
.LBB2_12:
0xa5: {  	_ = 	snop  }
0xa6: {  	(xrf2) =	vadd.scan.msk.f32 $0xffff, v8;
	_ =	sdelay $0x9  }
0xa7: {  	v8, _, _ =	vpop (xrf2)  }
0xa8: {  	v8 =	vperm.xlane v8, v0;
	_ =	sdelay $0x1  }
0xa9: {  	(xrf0) =	vmax.scan.msk.f32 $0xffff, v8;
	_ =	sdelay $0x1  }
0xaa: {  	s28 =	sadd.s32 $0x1, s28  }
0xab: {  	p2 =	seq.s32 s28, $0xC  }
.Ltmp5:
0xac: {  	_ = 	snop;
	(pc) =	sbr.rel @p2 .LBB2_13-.Ltmp5, $4  }
0xad: {  	_ = 	snop  }
0xae: {  	v8, _, _ =	vpop (xrf0)  }
0xaf: {  	vm0 =	vge.f32 v8, $1.000000000e+00  }
0xb0: {  	v6 =	vsel vm0, v7, v6;
	v5 =	vsel vm0, v5, v7  }
.LBB2_8:
.Ltmp6:
0xb1: {  	(pc) =	sbr.rel @p1 .LBB2_12-.Ltmp6, $3  }
0xb2: {  	_ = 	snop  }
0xb3: {  	v7 =	vadd.f32 v5, v6;
	_ =	sdelay $0x1  }
0xb4: {  	s30 =	simm.s32 $0x10000;
	v8 =	vimm.f32 $0.0e+00;
	v7 =	vmul.f32 $5.000000000e-01, v7  }
0xb5: {  	v9 =	vld [tilespmem:s30+$0x0]  }
0xb6: {  	p2 =	sne.s32 s26, $0x1  }
.Ltmp7:
0xb7: {  	_ = 	snop;
	(pc) =	sbr.rel @!p2 .LBB2_11-.Ltmp7, $3  }
0xb8: {  	_ =	sdelay $0x1  }
0xb9: {  	v9 =	vsub.f32 v9, v7  }
0xba: {  	s29 =	sadd.s32 $0xFFFFFFFF, s26;
	s30 =	sadd.s32 $0x10, s30  }
.LBB2_10:
0xbb: {  	v10 =	vld [tilespmem:s30+$0x0];
	p2 =	sne.s32 s29, $0x1;
	s29 =	sadd.s32 $0xFFFFFFFF, s29  }
.Ltmp8:
0xbc: {  	v9 =	vmax.f32 v9, $0.0e+00;
	(pc) =	sbr.rel @p2 .LBB2_10-.Ltmp8, $2  }
0xbd: {  	v8 =	vadd.f32 v9, v8;
	_ =	sdelay $0x2  }
0xbe: {  	s30 =	sadd.s32 $0x10, s30;
	v9 =	vsub.f32 v10, v7  }
.Ltmp9:
0xbf: {  	_ = 	snop;
	(pc) =	sbr.rel .LBB2_11-.Ltmp9, $1  }
0xc0: {  	_ =	sdelay $0x3  }
.LBB2_13:
.Ltmp10:
0xc1: {  	(pc) =	sbr.rel @p1 .LBB2_14-.Ltmp10, $2  }
0xc2: {  	_ =	sdelay $0x2  }
0xc3: {  	s28 =	simm.s32 $0x10000;
	v5 =	vimm.f32 $0.0e+00  }
0xc4: {  	v7 =	vld [tilespmem:s28+$0x0];
	p1 =	sne.s32 s26, $0x1  }
.Ltmp11:
0xc5: {  	_ = 	snop;
	(pc) =	sbr.rel @!p1 .LBB2_17-.Ltmp11, $2  }
0xc6: {  	_ =	sdelay $0x2  }
0xc7: {  	s26 =	sadd.s32 $0xFFFFFFFF, s26;
	s28 =	sadd.s32 $0x10, s28;
	v8 =	vimm.f32 $0.0e+00;
	v9 =	vsub.f32 v7, v4  }
.LBB2_16:
0xc8: {  	p1 =	sne.s32 s26, $0x1;
	s26 =	sadd.s32 $0xFFFFFFFF, s26;
	vm0 =	vgt.f32 v7, v6;
	v7 =	vld [tilespmem:s28+$0x0]  }
.Ltmp12:
0xc9: {  	v9 =	vnsel vm0, $0x0, v9;
	v10 =	vsel vm0, $0x3F800000, v2;
	(pc) =	sbr.rel @p1 .LBB2_16-.Ltmp12, $2  }
0xca: {  	v5 =	vadd.f32 v9, v5;
	v8 =	vadd.f32 v10, v8;
	_ =	sdelay $0x2  }
0xcb: {  	s28 =	sadd.s32 $0x10, s28;
	v9 =	vsub.f32 v7, v4  }
.LBB2_17:
.Ltmp13:
0xcc: {  	(pc) =	sbr.rel .LBB2_18-.Ltmp13, $4  }
0xcd: {  	_ = 	snop  }
0xce: {  	vm0 =	vgt.f32 v7, v6  }
0xcf: {  	v6 =	vnsel vm0, $0x0, v9;
	v7 =	vsel vm0, $0x3F800000, v2  }
0xd0: {  	v5 =	vadd.f32 v6, v5;
	v6 =	vadd.f32 v7, v8  }
.LBB2_14:
0xd1: {  	v6 =	vimm.f32 $0.0e+00  }
.LBB2_18:
0xd2: {  	_ = 	snop  }
0xd3: {  	(xrf2) =	vadd.scan.msk.f32 $0xffff, v6;
	_ =	sdelay $0x9  }
0xd4: {  	v6, _, _ =	vpop (xrf2)  }
0xd5: {  	v6 =	vperm.xlane v6, v0;
	_ =	sdelay $0x1  }
0xd6: {  	(xrf0) =	vmax.scan.msk.f32 $0xffff, v6;
	_ =	sdelay $0x2  }
0xd7: {  	(xrf2) =	vadd.scan.msk.f32 $0xffff, v5;
	_ =	sdelay $0x2  }
0xd8: {  	v5, _, _ =	vpop (xrf0)  }
0xd9: {  	v5 =	vmax.f32 v5, $1.000000000e+00  }
0xda: {  	v6 =	vsub.s32 $0x7EF311C3, v5  }
0xdb: {  	v7 =	vmul.f32 v6, v5;
	_ =	sdelay $0x1  }
0xdc: {  	v7 =	vsub.f32 $2.000000000e+00, v7;
	_ =	sdelay $0x1  }
0xdd: {  	v8, _, _ =	vpop (xrf2);
	v6 =	vmul.f32 v6, v7  }
0xde: {  	v7 =	vperm.xlane v8, v0  }
0xdf: {  	v8 =	vmul.f32 v6, v5  }
0xe0: {  	(xrf0) =	vmax.scan.msk.f32 $0xffff, v7  }
0xe1: {  	v7 =	vsub.f32 $2.000000000e+00, v8;
	_ =	sdelay $0x1  }
0xe2: {  	v6 =	vmul.f32 v7, v6;
	_ =	sdelay $0x1  }
0xe3: {  	v4 =	vmul.f32 v5, v4;
	v5 =	vmul.f32 v6, v5  }
0xe4: {  	v7, _, _ =	vpop (xrf0)  }
0xe5: {  	s26 =	simm.s32 $0x0;
	v4 =	vadd.f32 v4, v7;
	v5 =	vsub.f32 $2.000000000e+00, v5  }
0xe6: {  	v7 =	vld.idx.msk [tilespmem:v3+s26+$0xFFFFFFC0 ss:$0x1], $0xffff  }
0xe7: {  	v4 =	vadd.f32 $-1.000000000e+00, v4;
	v5 =	vmul.f32 v5, v6;
	_ =	sdelay $0x1  }
0xe8: {  	v5 =	vmul.f32 v5, v4;
	v4 =	vmov s25;
	_ =	sdelay $0x1  }
0xe9: {  	v6 =	vsub.f32 v7, v5;
	_ =	sdelay $0x1  }
0xea: {  	v6 =	vmax.f32 v6, $0.0e+00  }
0xeb: {  	[tilespmem:v4+s26+$0xFFFFFFC0 ss:$0x1] =	vst.idx.msk $0xffff, v6  }
0xec: {  	v6 =	vld.idx.msk [tilespmem:v3+s26+$0xFFFFFFD0 ss:$0x1], $0xffff;
	_ =	sdelay $0x4  }
0xed: {  	v6 =	vsub.f32 v6, v5;
	_ =	sdelay $0x1  }
0xee: {  	v6 =	vmax.f32 v6, $0.0e+00  }
0xef: {  	[tilespmem:v4+s26+$0xFFFFFFD0 ss:$0x1] =	vst.idx.msk $0xffff, v6  }
0xf0: {  	v6 =	vld.idx.msk [tilespmem:v3+s26+$0xFFFFFFE0 ss:$0x1], $0xffff;
	_ =	sdelay $0x4  }
0xf1: {  	v6 =	vsub.f32 v6, v5;
	_ =	sdelay $0x1  }
0xf2: {  	v6 =	vmax.f32 v6, $0.0e+00  }
0xf3: {  	[tilespmem:v4+s26+$0xFFFFFFE0 ss:$0x1] =	vst.idx.msk $0xffff, v6  }
0xf4: {  	v6 =	vld.idx.msk [tilespmem:v3+s26+$0xFFFFFFF0 ss:$0x1], $0xffff;
	_ =	sdelay $0x4  }
0xf5: {  	v6 =	vsub.f32 v6, v5;
	_ =	sdelay $0x1  }
0xf6: {  	v6 =	vmax.f32 v6, $0.0e+00  }
0xf7: {  	[tilespmem:v4+s26+$0xFFFFFFF0 ss:$0x1] =	vst.idx.msk $0xffff, v6  }
0xf8: {  	v6 =	vld.idx.msk [tilespmem:v3+s26+$0x0 ss:$0x1], $0xffff;
	_ =	sdelay $0x4  }
0xf9: {  	v6 =	vsub.f32 v6, v5;
	_ =	sdelay $0x1  }
0xfa: {  	v6 =	vmax.f32 v6, $0.0e+00  }
0xfb: {  	[tilespmem:v4+s26+$0x0 ss:$0x1] =	vst.idx.msk $0xffff, v6  }
0xfc: {  	v6 =	vld.idx.msk [tilespmem:v3+s26+$0x10 ss:$0x1], $0xffff;
	_ =	sdelay $0x4  }
0xfd: {  	v6 =	vsub.f32 v6, v5;
	_ =	sdelay $0x1  }
0xfe: {  	v6 =	vmax.f32 v6, $0.0e+00  }
0xff: {  	[tilespmem:v4+s26+$0x10 ss:$0x1] =	vst.idx.msk $0xffff, v6  }
0x100: {  	v6 =	vld.idx.msk [tilespmem:v3+s26+$0x20 ss:$0x1], $0xffff;
	_ =	sdelay $0x4  }
0x101: {  	v6 =	vsub.f32 v6, v5;
	_ =	sdelay $0x1  }
0x102: {  	v6 =	vmax.f32 v6, $0.0e+00  }
0x103: {  	[tilespmem:v4+s26+$0x20 ss:$0x1] =	vst.idx.msk $0xffff, v6  }
0x104: {  	v6 =	vld.idx.msk [tilespmem:v3+s26+$0x30 ss:$0x1], $0xffff;
	_ =	sdelay $0x4  }
0x105: {  	v6 =	vsub.f32 v6, v5;
	_ =	sdelay $0x1  }
0x106: {  	s28 =	simm.s32 $0x800;
	s29 =	simm.s32 $0x1000;
	v6 =	vmax.f32 v6, $0.0e+00  }
.LBB2_19:
0x107: {  	p1 =	sne.s32 s29, $0xF800  }
0x108: {  	[tilespmem:v4+s26+$0x30 ss:$0x1] =	vst.idx.msk $0xffff, v6;
	s26 =	sshra.s32 s28, $0x2;
	s28 =	smov.u32 s29;
	s29 =	sadd.s32 $0x800, s29  }
0x109: {  	v6 =	vld.idx.msk [tilespmem:v3+s26+$0xFFFFFFC0 ss:$0x1], $0xffff;
	_ =	sdelay $0x5  }
0x10a: {  	v6 =	vsub.f32 v6, v5;
	_ =	sdelay $0x1  }
0x10b: {  	v6 =	vmax.f32 v6, $0.0e+00  }
0x10c: {  	[tilespmem:v4+s26+$0xFFFFFFC0 ss:$0x1] =	vst.idx.msk $0xffff, v6  }
0x10d: {  	v6 =	vld.idx.msk [tilespmem:v3+s26+$0xFFFFFFD0 ss:$0x1], $0xffff;
	_ =	sdelay $0x5  }
0x10e: {  	v6 =	vsub.f32 v6, v5;
	_ =	sdelay $0x1  }
0x10f: {  	v6 =	vmax.f32 v6, $0.0e+00  }
0x110: {  	[tilespmem:v4+s26+$0xFFFFFFD0 ss:$0x1] =	vst.idx.msk $0xffff, v6  }
0x111: {  	v6 =	vld.idx.msk [tilespmem:v3+s26+$0xFFFFFFE0 ss:$0x1], $0xffff;
	_ =	sdelay $0x5  }
0x112: {  	v6 =	vsub.f32 v6, v5;
	_ =	sdelay $0x1  }
0x113: {  	v6 =	vmax.f32 v6, $0.0e+00  }
0x114: {  	[tilespmem:v4+s26+$0xFFFFFFE0 ss:$0x1] =	vst.idx.msk $0xffff, v6  }
0x115: {  	v6 =	vld.idx.msk [tilespmem:v3+s26+$0xFFFFFFF0 ss:$0x1], $0xffff;
	_ =	sdelay $0x5  }
0x116: {  	v6 =	vsub.f32 v6, v5;
	_ =	sdelay $0x1  }
0x117: {  	v6 =	vmax.f32 v6, $0.0e+00  }
0x118: {  	[tilespmem:v4+s26+$0xFFFFFFF0 ss:$0x1] =	vst.idx.msk $0xffff, v6  }
0x119: {  	v6 =	vld.idx.msk [tilespmem:v3+s26+$0x0 ss:$0x1], $0xffff;
	_ =	sdelay $0x5  }
0x11a: {  	v6 =	vsub.f32 v6, v5;
	_ =	sdelay $0x1  }
0x11b: {  	v6 =	vmax.f32 v6, $0.0e+00  }
0x11c: {  	[tilespmem:v4+s26+$0x0 ss:$0x1] =	vst.idx.msk $0xffff, v6  }
0x11d: {  	v6 =	vld.idx.msk [tilespmem:v3+s26+$0x10 ss:$0x1], $0xffff;
	_ =	sdelay $0x5  }
0x11e: {  	v6 =	vsub.f32 v6, v5;
	_ =	sdelay $0x1  }
0x11f: {  	v6 =	vmax.f32 v6, $0.0e+00  }
0x120: {  	[tilespmem:v4+s26+$0x10 ss:$0x1] =	vst.idx.msk $0xffff, v6  }
0x121: {  	v6 =	vld.idx.msk [tilespmem:v3+s26+$0x20 ss:$0x1], $0xffff;
	_ =	sdelay $0x5  }
0x122: {  	v6 =	vsub.f32 v6, v5;
	_ =	sdelay $0x1  }
0x123: {  	v6 =	vmax.f32 v6, $0.0e+00  }
0x124: {  	[tilespmem:v4+s26+$0x20 ss:$0x1] =	vst.idx.msk $0xffff, v6  }
0x125: {  	v6 =	vld.idx.msk [tilespmem:v3+s26+$0x30 ss:$0x1], $0xffff;
	_ =	sdelay $0x3  }
.Ltmp14:
0x126: {  	(pc) =	sbr.rel @p1 .LBB2_19-.Ltmp14, $3  }
0x127: {  	_ = 	snop  }
0x128: {  	v6 =	vsub.f32 v6, v5;
	_ =	sdelay $0x1  }
0x129: {  	v6 =	vmax.f32 v6, $0.0e+00  }
0x12a: {  	_ =	sdelay $0x3  }
0x12b: {  	s28 =	sshra.s32 s28, $0x2;
	[tilespmem:v4+s26+$0x30 ss:$0x1] =	vst.idx.msk $0xffff, v6  }
0x12c: {  	v6 =	vld.idx.msk [tilespmem:v3+s28+$0xFFFFFFC0 ss:$0x1], $0xffff;
	_ =	sdelay $0x4  }
0x12d: {  	v6 =	vsub.f32 v6, v5;
	_ =	sdelay $0x1  }
0x12e: {  	v6 =	vmax.f32 v6, $0.0e+00  }
0x12f: {  	[tilespmem:v4+s28+$0xFFFFFFC0 ss:$0x1] =	vst.idx.msk $0xffff, v6  }
0x130: {  	v6 =	vld.idx.msk [tilespmem:v3+s28+$0xFFFFFFD0 ss:$0x1], $0xffff;
	_ =	sdelay $0x4  }
0x131: {  	v6 =	vsub.f32 v6, v5;
	_ =	sdelay $0x1  }
0x132: {  	v6 =	vmax.f32 v6, $0.0e+00  }
0x133: {  	[tilespmem:v4+s28+$0xFFFFFFD0 ss:$0x1] =	vst.idx.msk $0xffff, v6  }
0x134: {  	v6 =	vld.idx.msk [tilespmem:v3+s28+$0xFFFFFFE0 ss:$0x1], $0xffff;
	_ =	sdelay $0x4  }
0x135: {  	v6 =	vsub.f32 v6, v5;
	_ =	sdelay $0x1  }
0x136: {  	v6 =	vmax.f32 v6, $0.0e+00  }
0x137: {  	[tilespmem:v4+s28+$0xFFFFFFE0 ss:$0x1] =	vst.idx.msk $0xffff, v6  }
0x138: {  	v6 =	vld.idx.msk [tilespmem:v3+s28+$0xFFFFFFF0 ss:$0x1], $0xffff;
	_ =	sdelay $0x4  }
0x139: {  	v6 =	vsub.f32 v6, v5;
	_ =	sdelay $0x1  }
0x13a: {  	v6 =	vmax.f32 v6, $0.0e+00  }
0x13b: {  	[tilespmem:v4+s28+$0xFFFFFFF0 ss:$0x1] =	vst.idx.msk $0xffff, v6  }
0x13c: {  	v6 =	vld.idx.msk [tilespmem:v3+s28+$0x0 ss:$0x1], $0xffff;
	_ =	sdelay $0x4  }
0x13d: {  	v6 =	vsub.f32 v6, v5;
	_ =	sdelay $0x1  }
0x13e: {  	v6 =	vmax.f32 v6, $0.0e+00  }
0x13f: {  	[tilespmem:v4+s28+$0x0 ss:$0x1] =	vst.idx.msk $0xffff, v6  }
0x140: {  	v6 =	vld.idx.msk [tilespmem:v3+s28+$0x10 ss:$0x1], $0xffff;
	_ =	sdelay $0x4  }
0x141: {  	v6 =	vsub.f32 v6, v5;
	_ =	sdelay $0x1  }
0x142: {  	v6 =	vmax.f32 v6, $0.0e+00  }
0x143: {  	[tilespmem:v4+s28+$0x10 ss:$0x1] =	vst.idx.msk $0xffff, v6  }
0x144: {  	v6 =	vld.idx.msk [tilespmem:v3+s28+$0x20 ss:$0x1], $0xffff;
	_ =	sdelay $0x4  }
0x145: {  	v6 =	vsub.f32 v6, v5;
	_ =	sdelay $0x1  }
0x146: {  	v6 =	vmax.f32 v6, $0.0e+00  }
0x147: {  	[tilespmem:v4+s28+$0x20 ss:$0x1] =	vst.idx.msk $0xffff, v6  }
0x148: {  	v3 =	vld.idx.msk [tilespmem:v3+s28+$0x30 ss:$0x1], $0xffff;
	_ =	sdelay $0x1  }
0x149: {  	s23 =	sadd.s32 $0x1, s23  }
0x14a: {  	p1 =	sne.s32 s23, $0x4  }
.Ltmp15:
0x14b: {  	_ = 	snop;
	(pc) =	sbr.rel @p1 .LBB2_3-.Ltmp15, $3  }
0x14c: {  	v3 =	vsub.f32 v3, v5;
	_ =	sdelay $0x1  }
0x14d: {  	v3 =	vmax.f32 v3, $0.0e+00  }
0x14e: {  	s24 =	sadd.s32 $0x80, s24;
	s25 =	sadd.s32 $0x80, s25;
	[tilespmem:v4+s28+$0x30 ss:$0x1] =	vst.idx.msk $0xffff, v3  }
0x14f: {  	s23 =	sshll.u32 s22, $0xC  }
0x150: {  	p1 =	seq.s32 s22, $0xA;
	s23 =	sadd.s32 s3, s23  }
0x151: {  	s25 =	simm.s32 @!p1 $0x200;
	s24 =	sadd.s32 s5, s23  }
0x152: {  	[hbm4b:s24+s11] =	stream.strided.scatter [tilespmem:s16], [sflag:$0x3], $0x4000, s12, s11, $0x38;
	[tilespmem:$0x11080] =	vst v63  }
0x153: {  	s26 =	simm.s32 @!p1 $0x400;
	s28 =	simm.s32 @!p1 $0x0;
	s24 =	sadd.s32 @!p1 s23, s7  }
0x154: {  	[tilespmem:s28], [sflag:$0x1] =	stream.strided.gather @!p1 [hbm4b:s24+s25], $0x4000, s26, s25, $0x38;
	[tilespmem:$0x11080] =	vst v63  }
0x155: {  	_ =	swait.ge [sflag:s17], $0x4000  }
0x156: {  	[sflag:s17] =	ssyncset.done $0x0  }
0x157: {  	s24 =	simm.s32 @!p0 $0x4;
	[sflag:s17] =	ssyncadd.s32 $0xFFFFC000  }
0x158: {  	_ =	swait.ge @!p0 [sflag:s24], $0x4000  }
0x159: {  	s25 =	simm.s32 $0x4040;
	[sflag:s24] =	ssyncset.done @!p0 $0x0  }
0x15a: {  	s26 =	simm.s32 $0xC040;
	[sflag:s24] =	ssyncadd.s32 @!p0 $0xFFFFC000;
	s24 =	simm.s32 $0x0  }
.LBB2_22:
0x15b: {  	v3 =	vmov s25;
	_ =	sdelay $0x3  }
0x15c: {  	s30 =	simm.s32 $0x0  }
0x15d: {  	v4 =	vld.idx.msk [tilespmem:v3+s30+$0x30 ss:$0x1], $0xffff  }
0x15e: {  	v7 =	vld.idx.msk [tilespmem:v3+s30+$0xFFFFFFC0 ss:$0x1], $0xffff  }
0x15f: {  	v16 =	vld.idx.msk [tilespmem:v3+s30+$0xFFFFFFD0 ss:$0x1], $0xffff  }
0x160: {  	v14 =	vld.idx.msk [tilespmem:v3+s30+$0xFFFFFFE0 ss:$0x1], $0xffff  }
0x161: {  	v8 =	vld.idx.msk [tilespmem:v3+s30+$0xFFFFFFF0 ss:$0x1], $0xffff  }
0x162: {  	v10 =	vimm.f32 $-Inf;
	v17 =	vimm.f32 $-Inf;
	v6 =	vld.idx.msk [tilespmem:v3+s30+$0x0 ss:$0x1], $0xffff  }
0x163: {  	v11 =	vimm.f32 $-Inf;
	v13 =	vimm.f32 $-Inf;
	v9 =	vimm.f32 $-Inf;
	v5 =	vld.idx.msk [tilespmem:v3+s30+$0x10 ss:$0x1], $0xffff  }
0x164: {  	s28 =	simm.s32 $0x200;
	s29 =	simm.s32 $0x1000;
	v12 =	vld.idx.msk [tilespmem:v3+s30+$0x20 ss:$0x1], $0xffff;
	v4 =	vmax.f32 v10, v4;
	v15 =	vmax.f32 v10, v7;
	v7 =	vimm.f32 $-Inf  }
.LBB2_23:
0x165: {  	p0 =	sne.s32 s29, $0xF800;
	v18 =	vld.idx.msk [tilespmem:v3+s28+$0x30 ss:$0x1], $0xffff;
	v10 =	vmax.f32 v10, v16  }
0x166: {  	v17 =	vmax.f32 v17, v14;
	v19 =	vld.idx.msk [tilespmem:v3+s28+$0xFFFFFFC0 ss:$0x1], $0xffff  }
0x167: {  	v11 =	vmax.f32 v11, v8;
	v16 =	vld.idx.msk [tilespmem:v3+s28+$0xFFFFFFD0 ss:$0x1], $0xffff  }
.Ltmp16:
0x168: {  	v13 =	vmax.f32 v13, v6;
	v14 =	vld.idx.msk [tilespmem:v3+s28+$0xFFFFFFE0 ss:$0x1], $0xffff;
	(pc) =	sbr.rel @p0 .LBB2_23-.Ltmp16, $4  }
0x169: {  	v9 =	vmax.f32 v9, v5;
	v8 =	vld.idx.msk [tilespmem:v3+s28+$0xFFFFFFF0 ss:$0x1], $0xffff  }
0x16a: {  	v7 =	vmax.f32 v7, v12;
	v6 =	vld.idx.msk [tilespmem:v3+s28+$0x0 ss:$0x1], $0xffff  }
0x16b: {  	v4 =	vmax.f32 v4, v18;
	v5 =	vld.idx.msk [tilespmem:v3+s28+$0x10 ss:$0x1], $0xffff  }
0x16c: {  	v15 =	vmax.f32 v15, v19;
	v12 =	vld.idx.msk [tilespmem:v3+s28+$0x20 ss:$0x1], $0xffff;
	s28 =	sshra.s32 s29, $0x2;
	s29 =	sadd.s32 $0x800, s29  }
0x16d: {  	_ =	sdelay $0x3  }
0x16e: {  	v18 =	vld.idx.msk [tilespmem:v3+s28+$0xFFFFFFC0 ss:$0x1], $0xffff  }
0x16f: {  	v19 =	vld.idx.msk [tilespmem:v3+s28+$0xFFFFFFD0 ss:$0x1], $0xffff  }
0x170: {  	v20 =	vld.idx.msk [tilespmem:v3+s28+$0xFFFFFFE0 ss:$0x1], $0xffff  }
0x171: {  	v21 =	vld.idx.msk [tilespmem:v3+s28+$0xFFFFFFF0 ss:$0x1], $0xffff  }
0x172: {  	v22 =	vld.idx.msk [tilespmem:v3+s28+$0x0 ss:$0x1], $0xffff  }
0x173: {  	v10 =	vmax.f32 v10, v16;
	v35 =	vld.idx.msk [tilespmem:v3+s28+$0x10 ss:$0x1], $0xffff  }
0x174: {  	v14 =	vmax.f32 v17, v14;
	v36 =	vld.idx.msk [tilespmem:v3+s28+$0x20 ss:$0x1], $0xffff;
	v15 =	vmax.f32 v15, v18;
	v10 =	vmax.f32 v10, v19  }
0x175: {  	v37 =	vld.idx.msk [tilespmem:v3+s28+$0x30 ss:$0x1], $0xffff;
	v8 =	vmax.f32 v11, v8;
	v11 =	vmax.f32 v14, v20;
	v10 =	vmax.f32 v15, v10  }
0x176: {  	v6 =	vmax.f32 v13, v6;
	v8 =	vmax.f32 v8, v21;
	v10 =	vmax.f32 v10, v11  }
0x177: {  	v5 =	vmax.f32 v9, v5;
	v6 =	vmax.f32 v6, v22;
	v8 =	vmax.f32 v10, v8  }
0x178: {  	v7 =	vmax.f32 v7, v12;
	v5 =	vmax.f32 v5, v35;
	v6 =	vmax.f32 v8, v6  }
0x179: {  	v7 =	vmax.f32 v7, v36;
	v5 =	vmax.f32 v6, v5  }
0x17a: {  	v4 =	vmax.f32 v4, v37;
	v5 =	vmax.f32 v5, v7  }
0x17b: {  	v4 =	vmax.f32 v5, v4  }
0x17c: {  	(xrf0) =	vmax.scan.msk.f32 $0xffff, v4;
	_ =	sdelay $0x5  }
0x17d: {  	v4, _, _ =	vpop (xrf0)  }
0x17e: {  	v4 =	vperm.xlane v4, v0;
	_ =	sdelay $0x1  }
0x17f: {  	(xrf0) =	vmax.scan.msk.f32 $0xffff, v4;
	_ =	sdelay $0x2  }
0x180: {  	s28 =	simm.s32 $0x0  }
0x181: {  	v7 =	vld.idx.msk [tilespmem:v3+s28+$0xFFFFFFC0 ss:$0x1], $0xffff  }
0x182: {  	v8 =	vld.idx.msk [tilespmem:v3+s28+$0xFFFFFFD0 ss:$0x1], $0xffff  }
0x183: {  	v9 =	vld.idx.msk [tilespmem:v3+s28+$0xFFFFFFE0 ss:$0x1], $0xffff;
	v5, _, _ =	vpop (xrf0)  }
0x184: {  	v10 =	vld.idx.msk [tilespmem:v3+s28+$0xFFFFFFF0 ss:$0x1], $0xffff;
	v4 =	vadd.f32 $-1.000000000e+00, v5  }
0x185: {  	v11 =	vld.idx.msk [tilespmem:v3+s28+$0x0 ss:$0x1], $0xffff  }
0x186: {  	v38 =	vld.idx.msk [tilespmem:v3+s28+$0x10 ss:$0x1], $0xffff;
	vm1 =	vgt.f32 v7, v4  }
0x187: {  	v39 =	vld.idx.msk [tilespmem:v3+s28+$0x20 ss:$0x1], $0xffff;
	vm2 =	vgt.f32 v8, v4;
	v40 =	vsel vm1, $0x1, v1  }
0x188: {  	v6 =	vld.idx.msk [tilespmem:v3+s28+$0x30 ss:$0x1], $0xffff;
	vm3 =	vgt.f32 v9, v4;
	v41 =	vsel vm2, $0x1, v1;
	(xrf0) =	vadd.scan.msk.s32 $0xffff, v40  }
0x189: {  	vm4 =	vgt.f32 v10, v4;
	v42 =	vsel vm3, $0x1, v1;
	(xrf0) =	vadd.scan.msk.s32 $0xffff, v41  }
0x18a: {  	vm5 =	vgt.f32 v11, v4;
	v44 =	vsel vm4, $0x1, v1;
	(xrf0) =	vadd.scan.msk.s32 $0xffff, v42  }
0x18b: {  	v43 =	vimm.s32 $0x0;
	vm7 =	vgt.f32 v38, v4;
	v46 =	vsel vm5, $0x1, v1;
	(xrf0) =	vadd.scan.msk.s32 $0xffff, v44  }
0x18c: {  	vm6 =	vgt.f32 v39, v4;
	v45 =	vmpcnt.ones.xlane vm1;
	v48 =	vsel vm7, $0x1, v1;
	(xrf0) =	vadd.scan.msk.s32 $0xffff, v46  }
0x18d: {  	vm0 =	vgt.f32 v6, v4;
	v47 =	vmpcnt.ones.xlane vm2;
	v49 =	vmpcnt.ones.xlane vm3;
	(xrf0) =	vadd.scan.msk.s32 $0xffff, v48  }
0x18e: {  	v50 =	vsel vm6, $0x1, v1;
	v51 =	vmpcnt.ones.xlane vm5;
	v53 =	vsel vm0, $0x1, v1;
	v54, _, _ =	vpop (xrf0)  }
0x18f: {  	v55 =	vmpcnt.ones.xlane vm4;
	v14 =	vadd.s32 v43, v45;
	v22 =	vadd.s32 v54, v43;
	v56, _, _ =	vpop (xrf0)  }
0x190: {  	(xrf0) =	vadd.scan.msk.s32 $0xffff, v50;
	v22 =	vadd.s32 $0xFFFFFFFF, v22;
	v15 =	vadd.s32 v56, v14;
	v14 =	vadd.s32 v14, v47;
	v57, _, _ =	vpop (xrf0)  }
0x191: {  	v15 =	vadd.s32 $0xFFFFFFFF, v15;
	v16 =	vadd.s32 v57, v14;
	v14 =	vadd.s32 v14, v49;
	v58, _, _ =	vpop (xrf0)  }
0x192: {  	(xrf0) =	vadd.scan.msk.s32 $0xffff, v53;
	v16 =	vadd.s32 $0xFFFFFFFF, v16;
	v17 =	vadd.s32 v58, v14;
	v14 =	vadd.s32 v14, v55;
	v59, _, _ =	vpop (xrf0)  }
0x193: {  	v17 =	vadd.s32 $0xFFFFFFFF, v17;
	v19 =	vadd.s32 v59, v14;
	v14 =	vadd.s32 v14, v51;
	v60, _, _ =	vpop (xrf0)  }
0x194: {  	v52 =	vmpcnt.ones.xlane vm7;
	v19 =	vadd.s32 $0xFFFFFFFF, v19;
	v18 =	vadd.s32 v60, v14  }
0x195: {  	[tilespmem:v22+s15+$0x0] =	vst.idx.msk vm1, v7;
	v7 =	vadd.s32 $0xFFFFFFFF, v18  }
0x196: {  	v14 =	vadd.s32 v14, v52;
	v61, _, _ =	vpop (xrf0);
	[tilespmem:v15+s15+$0x0] =	vst.idx.msk vm2, v8;
	v8 =	vmpcnt.ones.xlane vm6  }
0x197: {  	v62 =	vadd.s32 v61, v14;
	[tilespmem:v16+s15+$0x0] =	vst.idx.msk vm3, v9  }
0x198: {  	v63 =	vadd.s32 $0xFFFFFFFF, v62;
	v9 =	vmpcnt.ones.xlane vm0;
	[tilespmem:v17+s15+$0x0] =	vst.idx.msk vm4, v10;
	v8 =	vadd.s32 v14, v8;
	v10, _, _ =	vpop (xrf0)  }
0x199: {  	[tilespmem:v19+s15+$0x0] =	vst.idx.msk vm5, v11;
	v10 =	vadd.s32 v10, v8  }
0x19a: {  	[tilespmem:v7+s15+$0x0] =	vst.idx.msk vm7, v38;
	v7 =	vadd.s32 v8, v9;
	v8 =	vadd.s32 $0xFFFFFFFF, v10;
	_ =	sdelay $0x2  }
0x19b: {  	s29 =	simm.s32 $0x1000;
	s28 =	simm.s32 $0x800;
	[tilespmem:v63+s15+$0x0] =	vst.idx.msk vm6, v39  }
.LBB2_25:
0x19c: {  	p0 =	sne.s32 s29, $0xF800  }
0x19d: {  	s30 =	sshra.s32 s28, $0x2;
	[tilespmem:v8+s15+$0x0] =	vst.idx.msk vm0, v6;
	s28 =	smov.u32 s29;
	s29 =	sadd.s32 $0x800, s29  }
0x19e: {  	v8 =	vld.idx.msk [tilespmem:v3+s30+$0xFFFFFFC0 ss:$0x1], $0xffff  }
0x19f: {  	v9 =	vld.idx.msk [tilespmem:v3+s30+$0xFFFFFFD0 ss:$0x1], $0xffff  }
0x1a0: {  	v10 =	vld.idx.msk [tilespmem:v3+s30+$0xFFFFFFE0 ss:$0x1], $0xffff  }
0x1a1: {  	v11 =	vld.idx.msk [tilespmem:v3+s30+$0xFFFFFFF0 ss:$0x1], $0xffff  }
0x1a2: {  	v12 =	vld.idx.msk [tilespmem:v3+s30+$0x0 ss:$0x1], $0xffff  }
0x1a3: {  	v13 =	vld.idx.msk [tilespmem:v3+s30+$0x10 ss:$0x1], $0xffff  }
0x1a4: {  	vm3 =	vgt.f32 v8, v4;
	v14 =	vld.idx.msk [tilespmem:v3+s30+$0x20 ss:$0x1], $0xffff  }
0x1a5: {  	v15 =	vsel vm3, $0x1, v1;
	v16 =	vmpcnt.ones.xlane vm3;
	vm1 =	vgt.f32 v9, v4;
	v6 =	vld.idx.msk [tilespmem:v3+s30+$0x30 ss:$0x1], $0xffff  }
0x1a6: {  	v17 =	vsel vm1, $0x1, v1;
	v18 =	vmpcnt.ones.xlane vm1;
	vm2 =	vgt.f32 v10, v4;
	(xrf0) =	vadd.scan.msk.s32 $0xffff, v15  }
0x1a7: {  	v15 =	vsel vm2, $0x1, v1;
	v19 =	vmpcnt.ones.xlane vm2;
	vm4 =	vgt.f32 v11, v4;
	(xrf0) =	vadd.scan.msk.s32 $0xffff, v17  }
0x1a8: {  	v17 =	vsel vm4, $0x1, v1;
	vm5 =	vgt.f32 v12, v4;
	(xrf0) =	vadd.scan.msk.s32 $0xffff, v15  }
0x1a9: {  	v15 =	vsel vm5, $0x1, v1;
	v20 =	vmpcnt.ones.xlane vm5;
	vm6 =	vgt.f32 v13, v4;
	(xrf0) =	vadd.scan.msk.s32 $0xffff, v17  }
0x1aa: {  	v17 =	vsel vm6, $0x1, v1;
	vm7 =	vgt.f32 v14, v4;
	(xrf0) =	vadd.scan.msk.s32 $0xffff, v15  }
0x1ab: {  	v15 =	vsel vm7, $0x1, v1;
	v21 =	vmpcnt.ones.xlane vm7;
	vm0 =	vgt.f32 v6, v4;
	(xrf0) =	vadd.scan.msk.s32 $0xffff, v17  }
0x1ac: {  	v17 =	vmpcnt.ones.xlane vm6;
	v22 =	vsel vm0, $0x1, v1;
	v23 =	vmpcnt.ones.xlane vm0;
	v24, _, _ =	vpop (xrf0);
	(xrf0) =	vadd.scan.msk.s32 $0xffff, v15  }
0x1ad: {  	v25 =	vmpcnt.ones.xlane vm4;
	v24 =	vadd.s32 v24, v7;
	v7 =	vadd.s32 v7, v16;
	v16, _, _ =	vpop (xrf0);
	(xrf0) =	vadd.scan.msk.s32 $0xffff, v22  }
0x1ae: {  	v22 =	vadd.s32 $0xFFFFFFFF, v24;
	v16 =	vadd.s32 v16, v7;
	v7 =	vadd.s32 v7, v18;
	v18, _, _ =	vpop (xrf0)  }
0x1af: {  	v16 =	vadd.s32 $0xFFFFFFFF, v16;
	v18 =	vadd.s32 v18, v7;
	v7 =	vadd.s32 v7, v19;
	v19, _, _ =	vpop (xrf0)  }
0x1b0: {  	v18 =	vadd.s32 $0xFFFFFFFF, v18;
	v19 =	vadd.s32 v19, v7;
	v7 =	vadd.s32 v7, v25;
	v15, _, _ =	vpop (xrf0)  }
0x1b1: {  	v19 =	vadd.s32 $0xFFFFFFFF, v19;
	v15 =	vadd.s32 v15, v7;
	v7 =	vadd.s32 v7, v20;
	v20, _, _ =	vpop (xrf0)  }
0x1b2: {  	v15 =	vadd.s32 $0xFFFFFFFF, v15;
	v20 =	vadd.s32 v20, v7;
	v7 =	vadd.s32 v7, v17;
	v17, _, _ =	vpop (xrf0)  }
0x1b3: {  	[tilespmem:v22+s15+$0x0] =	vst.idx.msk vm3, v8;
	v20 =	vadd.s32 $0xFFFFFFFF, v20;
	v8 =	vadd.s32 v17, v7;
	v7 =	vadd.s32 v7, v21;
	v17, _, _ =	vpop (xrf0)  }
0x1b4: {  	[tilespmem:v16+s15+$0x0] =	vst.idx.msk vm1, v9;
	v9 =	vadd.s32 $0xFFFFFFFF, v8;
	v8 =	vadd.s32 v17, v7;
	v7 =	vadd.s32 v7, v23  }
.Ltmp17:
0x1b5: {  	[tilespmem:v18+s15+$0x0] =	vst.idx.msk vm2, v10;
	v8 =	vadd.s32 $0xFFFFFFFF, v8;
	(pc) =	sbr.rel @p0 .LBB2_25-.Ltmp17, $4  }
0x1b6: {  	[tilespmem:v19+s15+$0x0] =	vst.idx.msk vm4, v11  }
0x1b7: {  	[tilespmem:v15+s15+$0x0] =	vst.idx.msk vm5, v12  }
0x1b8: {  	[tilespmem:v20+s15+$0x0] =	vst.idx.msk vm6, v13  }
0x1b9: {  	[tilespmem:v9+s15+$0x0] =	vst.idx.msk vm7, v14  }
0x1ba: {  	_ =	sdelay $0x4  }
0x1bb: {  	s28 =	sshra.s32 s28, $0x2;
	[tilespmem:v8+s15+$0x0] =	vst.idx.msk vm0, v6  }
0x1bc: {  	v6 =	vld.idx.msk [tilespmem:v3+s28+$0xFFFFFFC0 ss:$0x1], $0xffff  }
0x1bd: {  	v8 =	vld.idx.msk [tilespmem:v3+s28+$0xFFFFFFD0 ss:$0x1], $0xffff  }
0x1be: {  	v9 =	vld.idx.msk [tilespmem:v3+s28+$0xFFFFFFE0 ss:$0x1], $0xffff  }
0x1bf: {  	v10 =	vld.idx.msk [tilespmem:v3+s28+$0xFFFFFFF0 ss:$0x1], $0xffff  }
0x1c0: {  	v11 =	vld.idx.msk [tilespmem:v3+s28+$0x0 ss:$0x1], $0xffff  }
0x1c1: {  	v12 =	vld.idx.msk [tilespmem:v3+s28+$0x10 ss:$0x1], $0xffff  }
0x1c2: {  	v13 =	vld.idx.msk [tilespmem:v3+s28+$0x20 ss:$0x1], $0xffff  }
0x1c3: {  	v16 =	vld.idx.msk [tilespmem:v3+s28+$0x30 ss:$0x1], $0xffff;
	vm1 =	vgt.f32 v6, v4  }
0x1c4: {  	vm15 =	vgt.f32 v8, v4;
	vm2 =	vgt.f32 v9, v4;
	v14 =	vmpcnt.ones.xlane vm1  }
0x1c5: {  	vm3 =	vgt.f32 v10, v4;
	vm4 =	vgt.f32 v11, v4;
	v17 =	vmpcnt.ones.xlane vm15  }
0x1c6: {  	vm5 =	vgt.f32 v12, v4;
	v18 =	vmpcnt.ones.xlane vm2;
	v14 =	vadd.s32 v7, v14  }
0x1c7: {  	vm6 =	vgt.f32 v13, v4;
	v19 =	vmpcnt.ones.xlane vm3;
	v17 =	vadd.s32 v14, v17  }
0x1c8: {  	vm7 =	vgt.f32 v16, v4;
	v20 =	vmpcnt.ones.xlane vm4;
	v18 =	vadd.s32 v17, v18  }
0x1c9: {  	v15 =	vsel vm1, $0x1, v1;
	v21 =	vmpcnt.ones.xlane vm5;
	v19 =	vadd.s32 v18, v19  }
0x1ca: {  	v22 =	vmpcnt.ones.xlane vm6;
	v23 =	vsel vm15, $0x1, v1;
	(xrf0) =	vadd.scan.msk.s32 $0xffff, v15;
	v20 =	vadd.s32 v19, v20  }
0x1cb: {  	v50 =	vmpcnt.ones.xlane vm7;
	v24 =	vsel vm2, $0x1, v1;
	(xrf0) =	vadd.scan.msk.s32 $0xffff, v23;
	v21 =	vadd.s32 v20, v21  }
0x1cc: {  	v51 =	vsel vm3, $0x1, v1;
	(xrf0) =	vadd.scan.msk.s32 $0xffff, v24;
	v22 =	vadd.s32 v21, v22  }
0x1cd: {  	v52 =	vsel vm4, $0x1, v1;
	(xrf0) =	vadd.scan.msk.s32 $0xffff, v51;
	v15 =	vadd.s32 v22, v50  }
0x1ce: {  	v53 =	vsel vm5, $0x1, v1;
	(xrf0) =	vadd.scan.msk.s32 $0xffff, v52;
	(v2sf) =	vpush v15, $0x0  }
0x1cf: {  	(xrf0) =	vadd.scan.msk.s32 $0xffff, v53  }
0x1d0: {  	v54 =	vsel vm6, $0x1, v1;
	v56, _, _ =	vpop (xrf0)  }
0x1d1: {  	v55 =	vsel vm7, $0x1, v1;
	(xrf0) =	vadd.scan.msk.s32 $0xffff, v54;
	v7 =	vadd.s32 v56, v7;
	v57, _, _ =	vpop (xrf0)  }
0x1d2: {  	(xrf0) =	vadd.scan.msk.s32 $0xffff, v55;
	v7 =	vadd.s32 $0xFFFFFFFF, v7;
	v14 =	vadd.s32 v57, v14;
	v58, _, _ =	vpop (xrf0)  }
0x1d3: {  	v14 =	vadd.s32 $0xFFFFFFFF, v14;
	v15 =	vadd.s32 v58, v17;
	v59, _, _ =	vpop (xrf0)  }
0x1d4: {  	v15 =	vadd.s32 $0xFFFFFFFF, v15;
	v17 =	vadd.s32 v59, v18;
	v60, _, _ =	vpop (xrf0)  }
0x1d5: {  	v17 =	vadd.s32 $0xFFFFFFFF, v17;
	v18 =	vadd.s32 v60, v19;
	v61, _, _ =	vpop (xrf0)  }
0x1d6: {  	v18 =	vadd.s32 $0xFFFFFFFF, v18;
	v19 =	vadd.s32 v61, v20  }
0x1d7: {  	v62, _, _ =	vpop (xrf0);
	[tilespmem:v7+s15+$0x0] =	vst.idx.msk vm1, v6;
	v6 =	vadd.s32 $0xFFFFFFFF, v19  }
0x1d8: {  	v7 =	vadd.s32 v62, v21;
	v63, _, _ =	vpop (xrf0);
	[tilespmem:v14+s15+$0x0] =	vst.idx.msk vm15, v8  }
0x1d9: {  	v7 =	vadd.s32 $0xFFFFFFFF, v7;
	v8 =	vadd.s32 v63, v22;
	[tilespmem:v15+s15+$0x0] =	vst.idx.msk vm2, v9  }
0x1da: {  	v8 =	vadd.s32 $0xFFFFFFFF, v8;
	[tilespmem:v17+s15+$0x0] =	vst.idx.msk vm3, v10  }
0x1db: {  	[tilespmem:v18+s15+$0x0] =	vst.idx.msk vm4, v11  }
.Ltmp18:
0x1dc: {  	[tilespmem:v6+s15+$0x0] =	vst.idx.msk vm5, v12;
	v6 =	vadd.f32 $-1.000000000e+00, v4;
	(pc) =	sbr.rel .LBB2_27-.Ltmp18, $4  }
0x1dd: {  	s29 =	spop (v2sf)  }
0x1de: {  	[tilespmem:v7+s15+$0x0] =	vst.idx.msk vm6, v13;
	s28 =	sadd.s32 $0xF, s29  }
0x1df: {  	[tilespmem:v8+s15+$0x0] =	vst.idx.msk vm7, v16;
	s28 =	sshrl.u32 s28, $0x4  }
0x1e0: {  	[tilespmem:s29+$0x10000] =	vst v6;
	s29 =	simm.s32 $0x0;
	v6 =	vmov v4;
	p0 =	seq.s32 s28, $0x0  }
.LBB2_30:
0x1e1: {  	v9 =	vmax.f32 v9, $0.0e+00  }
0x1e2: {  	v8 =	vadd.f32 v9, v8  }
.LBB2_31:
0x1e3: {  	_ = 	snop  }
0x1e4: {  	(xrf2) =	vadd.scan.msk.f32 $0xffff, v8;
	_ =	sdelay $0x9  }
0x1e5: {  	v8, _, _ =	vpop (xrf2)  }
0x1e6: {  	v8 =	vperm.xlane v8, v0;
	_ =	sdelay $0x1  }
0x1e7: {  	(xrf0) =	vmax.scan.msk.f32 $0xffff, v8;
	_ =	sdelay $0x1  }
0x1e8: {  	s29 =	sadd.s32 $0x1, s29  }
0x1e9: {  	p2 =	seq.s32 s29, $0xC  }
.Ltmp19:
0x1ea: {  	_ = 	snop;
	(pc) =	sbr.rel @p2 .LBB2_32-.Ltmp19, $4  }
0x1eb: {  	_ = 	snop  }
0x1ec: {  	v8, _, _ =	vpop (xrf0)  }
0x1ed: {  	vm0 =	vge.f32 v8, $1.000000000e+00  }
0x1ee: {  	v6 =	vsel vm0, v7, v6;
	v5 =	vsel vm0, v5, v7  }
.LBB2_27:
.Ltmp20:
0x1ef: {  	(pc) =	sbr.rel @p0 .LBB2_31-.Ltmp20, $3  }
0x1f0: {  	_ = 	snop  }
0x1f1: {  	v7 =	vadd.f32 v5, v6;
	_ =	sdelay $0x1  }
0x1f2: {  	s31 =	simm.s32 $0x10000;
	v8 =	vimm.f32 $0.0e+00;
	v7 =	vmul.f32 $5.000000000e-01, v7  }
0x1f3: {  	v9 =	vld [tilespmem:s31+$0x0]  }
0x1f4: {  	p2 =	sne.s32 s28, $0x1  }
.Ltmp21:
0x1f5: {  	_ = 	snop;
	(pc) =	sbr.rel @!p2 .LBB2_30-.Ltmp21, $3  }
0x1f6: {  	_ =	sdelay $0x1  }
0x1f7: {  	v9 =	vsub.f32 v9, v7  }
0x1f8: {  	s30 =	sadd.s32 $0xFFFFFFFF, s28;
	s31 =	sadd.s32 $0x10, s31  }
.LBB2_29:
0x1f9: {  	v10 =	vld [tilespmem:s31+$0x0];
	p2 =	sne.s32 s30, $0x1;
	s30 =	sadd.s32 $0xFFFFFFFF, s30  }
.Ltmp22:
0x1fa: {  	v9 =	vmax.f32 v9, $0.0e+00;
	(pc) =	sbr.rel @p2 .LBB2_29-.Ltmp22, $2  }
0x1fb: {  	v8 =	vadd.f32 v9, v8;
	_ =	sdelay $0x2  }
0x1fc: {  	s31 =	sadd.s32 $0x10, s31;
	v9 =	vsub.f32 v10, v7  }
.Ltmp23:
0x1fd: {  	_ = 	snop;
	(pc) =	sbr.rel .LBB2_30-.Ltmp23, $1  }
0x1fe: {  	_ =	sdelay $0x3  }
.LBB2_32:
.Ltmp24:
0x1ff: {  	(pc) =	sbr.rel @p0 .LBB2_33-.Ltmp24, $2  }
0x200: {  	_ =	sdelay $0x2  }
0x201: {  	s29 =	simm.s32 $0x10000;
	v5 =	vimm.f32 $0.0e+00  }
0x202: {  	v7 =	vld [tilespmem:s29+$0x0];
	p0 =	sne.s32 s28, $0x1  }
.Ltmp25:
0x203: {  	_ = 	snop;
	(pc) =	sbr.rel @!p0 .LBB2_36-.Ltmp25, $2  }
0x204: {  	_ =	sdelay $0x2  }
0x205: {  	s28 =	sadd.s32 $0xFFFFFFFF, s28;
	s29 =	sadd.s32 $0x10, s29;
	v8 =	vimm.f32 $0.0e+00;
	v9 =	vsub.f32 v7, v4  }
.LBB2_35:
0x206: {  	p0 =	sne.s32 s28, $0x1;
	s28 =	sadd.s32 $0xFFFFFFFF, s28;
	vm0 =	vgt.f32 v7, v6;
	v7 =	vld [tilespmem:s29+$0x0]  }
.Ltmp26:
0x207: {  	v9 =	vnsel vm0, $0x0, v9;
	v10 =	vsel vm0, $0x3F800000, v2;
	(pc) =	sbr.rel @p0 .LBB2_35-.Ltmp26, $2  }
0x208: {  	v5 =	vadd.f32 v9, v5;
	v8 =	vadd.f32 v10, v8;
	_ =	sdelay $0x2  }
0x209: {  	s29 =	sadd.s32 $0x10, s29;
	v9 =	vsub.f32 v7, v4  }
.LBB2_36:
.Ltmp27:
0x20a: {  	(pc) =	sbr.rel .LBB2_37-.Ltmp27, $4  }
0x20b: {  	_ = 	snop  }
0x20c: {  	vm0 =	vgt.f32 v7, v6  }
0x20d: {  	v6 =	vnsel vm0, $0x0, v9;
	v7 =	vsel vm0, $0x3F800000, v2  }
0x20e: {  	v5 =	vadd.f32 v6, v5;
	v6 =	vadd.f32 v7, v8  }
.LBB2_33:
0x20f: {  	v6 =	vimm.f32 $0.0e+00  }
.LBB2_37:
0x210: {  	_ = 	snop  }
0x211: {  	(xrf2) =	vadd.scan.msk.f32 $0xffff, v6;
	_ =	sdelay $0x9  }
0x212: {  	v6, _, _ =	vpop (xrf2)  }
0x213: {  	v6 =	vperm.xlane v6, v0;
	_ =	sdelay $0x1  }
0x214: {  	(xrf0) =	vmax.scan.msk.f32 $0xffff, v6;
	_ =	sdelay $0x2  }
0x215: {  	(xrf2) =	vadd.scan.msk.f32 $0xffff, v5;
	_ =	sdelay $0x2  }
0x216: {  	v5, _, _ =	vpop (xrf0)  }
0x217: {  	v5 =	vmax.f32 v5, $1.000000000e+00  }
0x218: {  	v6 =	vsub.s32 $0x7EF311C3, v5  }
0x219: {  	v7 =	vmul.f32 v6, v5;
	_ =	sdelay $0x1  }
0x21a: {  	v7 =	vsub.f32 $2.000000000e+00, v7;
	_ =	sdelay $0x1  }
0x21b: {  	v8, _, _ =	vpop (xrf2);
	v6 =	vmul.f32 v6, v7  }
0x21c: {  	v7 =	vperm.xlane v8, v0  }
0x21d: {  	v8 =	vmul.f32 v6, v5  }
0x21e: {  	(xrf0) =	vmax.scan.msk.f32 $0xffff, v7  }
0x21f: {  	v7 =	vsub.f32 $2.000000000e+00, v8;
	_ =	sdelay $0x1  }
0x220: {  	v6 =	vmul.f32 v7, v6;
	_ =	sdelay $0x1  }
0x221: {  	v4 =	vmul.f32 v5, v4;
	v5 =	vmul.f32 v6, v5  }
0x222: {  	v7, _, _ =	vpop (xrf0)  }
0x223: {  	s28 =	simm.s32 $0x0;
	v4 =	vadd.f32 v4, v7;
	v5 =	vsub.f32 $2.000000000e+00, v5  }
0x224: {  	v7 =	vld.idx.msk [tilespmem:v3+s28+$0xFFFFFFC0 ss:$0x1], $0xffff  }
0x225: {  	v4 =	vadd.f32 $-1.000000000e+00, v4;
	v5 =	vmul.f32 v5, v6;
	_ =	sdelay $0x1  }
0x226: {  	v5 =	vmul.f32 v5, v4;
	v4 =	vmov s26;
	_ =	sdelay $0x1  }
0x227: {  	v6 =	vsub.f32 v7, v5;
	_ =	sdelay $0x1  }
0x228: {  	v6 =	vmax.f32 v6, $0.0e+00  }
0x229: {  	[tilespmem:v4+s28+$0xFFFFFFC0 ss:$0x1] =	vst.idx.msk $0xffff, v6  }
0x22a: {  	v6 =	vld.idx.msk [tilespmem:v3+s28+$0xFFFFFFD0 ss:$0x1], $0xffff;
	_ =	sdelay $0x4  }
0x22b: {  	v6 =	vsub.f32 v6, v5;
	_ =	sdelay $0x1  }
0x22c: {  	v6 =	vmax.f32 v6, $0.0e+00  }
0x22d: {  	[tilespmem:v4+s28+$0xFFFFFFD0 ss:$0x1] =	vst.idx.msk $0xffff, v6  }
0x22e: {  	v6 =	vld.idx.msk [tilespmem:v3+s28+$0xFFFFFFE0 ss:$0x1], $0xffff;
	_ =	sdelay $0x4  }
0x22f: {  	v6 =	vsub.f32 v6, v5;
	_ =	sdelay $0x1  }
0x230: {  	v6 =	vmax.f32 v6, $0.0e+00  }
0x231: {  	[tilespmem:v4+s28+$0xFFFFFFE0 ss:$0x1] =	vst.idx.msk $0xffff, v6  }
0x232: {  	v6 =	vld.idx.msk [tilespmem:v3+s28+$0xFFFFFFF0 ss:$0x1], $0xffff;
	_ =	sdelay $0x4  }
0x233: {  	v6 =	vsub.f32 v6, v5;
	_ =	sdelay $0x1  }
0x234: {  	v6 =	vmax.f32 v6, $0.0e+00  }
0x235: {  	[tilespmem:v4+s28+$0xFFFFFFF0 ss:$0x1] =	vst.idx.msk $0xffff, v6  }
0x236: {  	v6 =	vld.idx.msk [tilespmem:v3+s28+$0x0 ss:$0x1], $0xffff;
	_ =	sdelay $0x4  }
0x237: {  	v6 =	vsub.f32 v6, v5;
	_ =	sdelay $0x1  }
0x238: {  	v6 =	vmax.f32 v6, $0.0e+00  }
0x239: {  	[tilespmem:v4+s28+$0x0 ss:$0x1] =	vst.idx.msk $0xffff, v6  }
0x23a: {  	v6 =	vld.idx.msk [tilespmem:v3+s28+$0x10 ss:$0x1], $0xffff;
	_ =	sdelay $0x4  }
0x23b: {  	v6 =	vsub.f32 v6, v5;
	_ =	sdelay $0x1  }
0x23c: {  	v6 =	vmax.f32 v6, $0.0e+00  }
0x23d: {  	[tilespmem:v4+s28+$0x10 ss:$0x1] =	vst.idx.msk $0xffff, v6  }
0x23e: {  	v6 =	vld.idx.msk [tilespmem:v3+s28+$0x20 ss:$0x1], $0xffff;
	_ =	sdelay $0x4  }
0x23f: {  	v6 =	vsub.f32 v6, v5;
	_ =	sdelay $0x1  }
0x240: {  	v6 =	vmax.f32 v6, $0.0e+00  }
0x241: {  	[tilespmem:v4+s28+$0x20 ss:$0x1] =	vst.idx.msk $0xffff, v6  }
0x242: {  	v6 =	vld.idx.msk [tilespmem:v3+s28+$0x30 ss:$0x1], $0xffff;
	_ =	sdelay $0x4  }
0x243: {  	v6 =	vsub.f32 v6, v5;
	_ =	sdelay $0x1  }
0x244: {  	s29 =	simm.s32 $0x800;
	s30 =	simm.s32 $0x1000;
	v6 =	vmax.f32 v6, $0.0e+00  }
.LBB2_38:
0x245: {  	p0 =	sne.s32 s30, $0xF800  }
0x246: {  	[tilespmem:v4+s28+$0x30 ss:$0x1] =	vst.idx.msk $0xffff, v6;
	s28 =	sshra.s32 s29, $0x2;
	s29 =	smov.u32 s30;
	s30 =	sadd.s32 $0x800, s30  }
0x247: {  	v6 =	vld.idx.msk [tilespmem:v3+s28+$0xFFFFFFC0 ss:$0x1], $0xffff;
	_ =	sdelay $0x5  }
0x248: {  	v6 =	vsub.f32 v6, v5;
	_ =	sdelay $0x1  }
0x249: {  	v6 =	vmax.f32 v6, $0.0e+00  }
0x24a: {  	[tilespmem:v4+s28+$0xFFFFFFC0 ss:$0x1] =	vst.idx.msk $0xffff, v6  }
0x24b: {  	v6 =	vld.idx.msk [tilespmem:v3+s28+$0xFFFFFFD0 ss:$0x1], $0xffff;
	_ =	sdelay $0x5  }
0x24c: {  	v6 =	vsub.f32 v6, v5;
	_ =	sdelay $0x1  }
0x24d: {  	v6 =	vmax.f32 v6, $0.0e+00  }
0x24e: {  	[tilespmem:v4+s28+$0xFFFFFFD0 ss:$0x1] =	vst.idx.msk $0xffff, v6  }
0x24f: {  	v6 =	vld.idx.msk [tilespmem:v3+s28+$0xFFFFFFE0 ss:$0x1], $0xffff;
	_ =	sdelay $0x5  }
0x250: {  	v6 =	vsub.f32 v6, v5;
	_ =	sdelay $0x1  }
0x251: {  	v6 =	vmax.f32 v6, $0.0e+00  }
0x252: {  	[tilespmem:v4+s28+$0xFFFFFFE0 ss:$0x1] =	vst.idx.msk $0xffff, v6  }
0x253: {  	v6 =	vld.idx.msk [tilespmem:v3+s28+$0xFFFFFFF0 ss:$0x1], $0xffff;
	_ =	sdelay $0x5  }
0x254: {  	v6 =	vsub.f32 v6, v5;
	_ =	sdelay $0x1  }
0x255: {  	v6 =	vmax.f32 v6, $0.0e+00  }
0x256: {  	[tilespmem:v4+s28+$0xFFFFFFF0 ss:$0x1] =	vst.idx.msk $0xffff, v6  }
0x257: {  	v6 =	vld.idx.msk [tilespmem:v3+s28+$0x0 ss:$0x1], $0xffff;
	_ =	sdelay $0x5  }
0x258: {  	v6 =	vsub.f32 v6, v5;
	_ =	sdelay $0x1  }
0x259: {  	v6 =	vmax.f32 v6, $0.0e+00  }
0x25a: {  	[tilespmem:v4+s28+$0x0 ss:$0x1] =	vst.idx.msk $0xffff, v6  }
0x25b: {  	v6 =	vld.idx.msk [tilespmem:v3+s28+$0x10 ss:$0x1], $0xffff;
	_ =	sdelay $0x5  }
0x25c: {  	v6 =	vsub.f32 v6, v5;
	_ =	sdelay $0x1  }
0x25d: {  	v6 =	vmax.f32 v6, $0.0e+00  }
0x25e: {  	[tilespmem:v4+s28+$0x10 ss:$0x1] =	vst.idx.msk $0xffff, v6  }
0x25f: {  	v6 =	vld.idx.msk [tilespmem:v3+s28+$0x20 ss:$0x1], $0xffff;
	_ =	sdelay $0x5  }
0x260: {  	v6 =	vsub.f32 v6, v5;
	_ =	sdelay $0x1  }
0x261: {  	v6 =	vmax.f32 v6, $0.0e+00  }
0x262: {  	[tilespmem:v4+s28+$0x20 ss:$0x1] =	vst.idx.msk $0xffff, v6  }
0x263: {  	v6 =	vld.idx.msk [tilespmem:v3+s28+$0x30 ss:$0x1], $0xffff;
	_ =	sdelay $0x3  }
.Ltmp28:
0x264: {  	(pc) =	sbr.rel @p0 .LBB2_38-.Ltmp28, $3  }
0x265: {  	_ = 	snop  }
0x266: {  	v6 =	vsub.f32 v6, v5;
	_ =	sdelay $0x1  }
0x267: {  	v6 =	vmax.f32 v6, $0.0e+00  }
0x268: {  	_ =	sdelay $0x3  }
0x269: {  	s29 =	sshra.s32 s29, $0x2;
	[tilespmem:v4+s28+$0x30 ss:$0x1] =	vst.idx.msk $0xffff, v6  }
0x26a: {  	v6 =	vld.idx.msk [tilespmem:v3+s29+$0xFFFFFFC0 ss:$0x1], $0xffff;
	_ =	sdelay $0x4  }
0x26b: {  	v6 =	vsub.f32 v6, v5;
	_ =	sdelay $0x1  }
0x26c: {  	v6 =	vmax.f32 v6, $0.0e+00  }
0x26d: {  	[tilespmem:v4+s29+$0xFFFFFFC0 ss:$0x1] =	vst.idx.msk $0xffff, v6  }
0x26e: {  	v6 =	vld.idx.msk [tilespmem:v3+s29+$0xFFFFFFD0 ss:$0x1], $0xffff;
	_ =	sdelay $0x4  }
0x26f: {  	v6 =	vsub.f32 v6, v5;
	_ =	sdelay $0x1  }
0x270: {  	v6 =	vmax.f32 v6, $0.0e+00  }
0x271: {  	[tilespmem:v4+s29+$0xFFFFFFD0 ss:$0x1] =	vst.idx.msk $0xffff, v6  }
0x272: {  	v6 =	vld.idx.msk [tilespmem:v3+s29+$0xFFFFFFE0 ss:$0x1], $0xffff;
	_ =	sdelay $0x4  }
0x273: {  	v6 =	vsub.f32 v6, v5;
	_ =	sdelay $0x1  }
0x274: {  	v6 =	vmax.f32 v6, $0.0e+00  }
0x275: {  	[tilespmem:v4+s29+$0xFFFFFFE0 ss:$0x1] =	vst.idx.msk $0xffff, v6  }
0x276: {  	v6 =	vld.idx.msk [tilespmem:v3+s29+$0xFFFFFFF0 ss:$0x1], $0xffff;
	_ =	sdelay $0x4  }
0x277: {  	v6 =	vsub.f32 v6, v5;
	_ =	sdelay $0x1  }
0x278: {  	v6 =	vmax.f32 v6, $0.0e+00  }
0x279: {  	[tilespmem:v4+s29+$0xFFFFFFF0 ss:$0x1] =	vst.idx.msk $0xffff, v6  }
0x27a: {  	v6 =	vld.idx.msk [tilespmem:v3+s29+$0x0 ss:$0x1], $0xffff;
	_ =	sdelay $0x4  }
0x27b: {  	v6 =	vsub.f32 v6, v5;
	_ =	sdelay $0x1  }
0x27c: {  	v6 =	vmax.f32 v6, $0.0e+00  }
0x27d: {  	[tilespmem:v4+s29+$0x0 ss:$0x1] =	vst.idx.msk $0xffff, v6  }
0x27e: {  	v6 =	vld.idx.msk [tilespmem:v3+s29+$0x10 ss:$0x1], $0xffff;
	_ =	sdelay $0x4  }
0x27f: {  	v6 =	vsub.f32 v6, v5;
	_ =	sdelay $0x1  }
0x280: {  	v6 =	vmax.f32 v6, $0.0e+00  }
0x281: {  	[tilespmem:v4+s29+$0x10 ss:$0x1] =	vst.idx.msk $0xffff, v6  }
0x282: {  	v6 =	vld.idx.msk [tilespmem:v3+s29+$0x20 ss:$0x1], $0xffff;
	_ =	sdelay $0x4  }
0x283: {  	v6 =	vsub.f32 v6, v5;
	_ =	sdelay $0x1  }
0x284: {  	v6 =	vmax.f32 v6, $0.0e+00  }
0x285: {  	[tilespmem:v4+s29+$0x20 ss:$0x1] =	vst.idx.msk $0xffff, v6  }
0x286: {  	v3 =	vld.idx.msk [tilespmem:v3+s29+$0x30 ss:$0x1], $0xffff;
	_ =	sdelay $0x1  }
0x287: {  	s24 =	sadd.s32 $0x1, s24  }
0x288: {  	p0 =	sne.s32 s24, $0x4  }
.Ltmp29:
0x289: {  	_ = 	snop;
	(pc) =	sbr.rel @p0 .LBB2_22-.Ltmp29, $3  }
0x28a: {  	v3 =	vsub.f32 v3, v5;
	_ =	sdelay $0x1  }
0x28b: {  	v3 =	vmax.f32 v3, $0.0e+00  }
0x28c: {  	s25 =	sadd.s32 $0x80, s25;
	s26 =	sadd.s32 $0x80, s26;
	[tilespmem:v4+s29+$0x30 ss:$0x1] =	vst.idx.msk $0xffff, v3  }
.Ltmp30:
0x28d: {  	(pc) =	sbr.rel @p1 .LBB2_42-.Ltmp30, $4  }
0x28e: {  	_ = 	snop  }
0x28f: {  	s24 =	sand.u32 $0x1FFFF000, s23  }
0x290: {  	s24 =	sadd.s32 s24, s8  }
0x291: {  	[hbm4b:s24+s11] =	stream.strided.scatter [tilespmem:s18], [sflag:$0x4], $0x4000, s12, s11, $0x38;
	[tilespmem:$0x11080] =	vst v63  }
.Ltmp31:
0x292: {  	(pc) =	sbr.rel .LBB2_2-.Ltmp31, $4  }
0x293: {  	_ = 	snop  }
0x294: {  	s23 =	sand.u32 $0xFFFF000, s23  }
0x295: {  	s22 =	sadd.s32 $0x1, s22;
	s23 =	sadd.s32 s23, s9  }
0x296: {  	[tilespmem:s13], [sflag:$0x2] =	stream.strided.gather [hbm4b:s23+s11], $0x4000, s12, s11, $0x38;
	[tilespmem:$0x11080] =	vst v63  }
.LBB2_43:
0x297: {  	_ =	sfence.sel $0x180000  }
0x298: {  	[bflag:$0x0] =	sbarrier.arrive $0xFFFF  }
0x299: {  	p0 =	sne.s32 s0, $0x0;
	_ =	strace $0x90000047  }
0x29a: {  	s0 =	sadd.s32 @!p0 $0x100000, s1;
	[bflag:$0x2] =	sbarrier.arrive $0xFFFF  }
0x29b: {  	[sflag:s0] =	ssyncadd.tile.s32 @!p0 $0x1;
	_ =	shalt  }
.Lfunc_end2:
_tile_overlayer_lowered:
.L_overlay_start_2:
0x29c: {  	(tag) =	ssettag $0x2  }
0x29d: {  	s0 =	rddreg [dreg:$0x0];
	s2 =	stileid.u32  }
0x29e: {  	s1 =	rddreg [dreg:$0x1];
	p0 =	sne.s32 s2, $0x0  }
0x29f: {  	s3 =	rddreg [dreg:$0x2];
	[bflag:$0x3] =	sbarrier.arrive $0xFFFF;
	s2 =	simm.s32 @!p0 $0x1C05  }
0x2a0: {  	[timem:s3], [sflag:s2] =	dma.local @!p0 [hbm:s0], s1  }
0x2a1: {  	s0 =	simm.s32 @!p0 $0x5  }
0x2a2: {  	_ =	swait.ge @!p0 [sflag:s0], s1  }
0x2a3: {  	s1 =	ssub.s32 @!p0 $0x0, s1;
	[sflag:s0] =	ssyncset.done @!p0 $0x0  }
0x2a4: {  	[sflag:s0] =	ssyncadd.s32 @!p0 s1  }
0x2a5: {  	[bflag:$0x3] =	sbarrier.arrive $0xFFFF  }
0x2a6: {  	_ =	shalt  }

</sc_bundles>
